<compile_context>
chip_gen: v7x
topology: tpu7x:2x2x1
jax: 0.10.2.dev20260603
libtpu: 0.0.44.dev20260713+nightly
codegen_flags: <defaults>
</compile_context>

<pallas_src>
import jax
import jax.numpy as jnp
from jax import lax
from jax.experimental import pallas as pl
from jax.experimental.pallas import tpu as pltpu
from jax.experimental.pallas import tpu_sc as plsc

NUM_CORES = 2
NUM_SUBCORES = 16
NUM_WORKERS = NUM_CORES * NUM_SUBCORES
CHUNK = 1024
LANES = 16


def _gather_flat(embed_lookup, idx_t, num_indices, dim):
    hist, batch = idx_t.shape
    chunks_per_row = batch // CHUNK
    n_chunks = hist * chunks_per_row
    per_worker = n_chunks // NUM_WORKERS
    pairs = per_worker // 2
    odd_tail = per_worker % 2

    mesh = plsc.VectorSubcoreMesh(core_axis_name="c", subcore_axis_name="s")

    @pl.kernel(
        out_type=jax.ShapeDtypeStruct((num_indices, dim), embed_lookup.dtype),
        mesh=mesh,
        compiler_params=pltpu.CompilerParams(use_tc_tiling_on_sc=False),
        scratch_types=[
            pltpu.VMEM((CHUNK,), jnp.int32),
            pltpu.VMEM((CHUNK,), jnp.int32),
            pltpu.VMEM((CHUNK, dim), jnp.float32),
            pltpu.VMEM((CHUNK, dim), jnp.float32),
            pltpu.SemaphoreType.DMA,
            pltpu.SemaphoreType.DMA,
            pltpu.SemaphoreType.DMA,
            pltpu.SemaphoreType.DMA,
        ],
    )
    def gather_kernel(tab_hbm, idx_hbm, out_hbm, idx0, idx1, rows0, rows1,
                      g0, g1, s0, s1):
        wid = lax.axis_index("s") * NUM_CORES + lax.axis_index("c")
        cbase = wid * per_worker

        def load_idx(chunk, idx_v):
            h = chunk // chunks_per_row
            b0 = (chunk % chunks_per_row) * CHUNK
            pltpu.sync_copy(idx_hbm.at[h, pl.ds(b0, CHUNK)], idx_v)

        def gather_desc(idx_v, rows_v, sem):
            return pltpu.make_async_copy(tab_hbm.at[idx_v], rows_v, sem)

        def store_desc(chunk, rows_v, sem):
            return pltpu.make_async_copy(
                rows_v, out_hbm.at[pl.ds(chunk * CHUNK, CHUNK)], sem
            )

        load_idx(cbase, idx0)
        gather_desc(idx0, rows0, g0).start()
        load_idx(cbase + 1, idx1)
        gather_desc(idx1, rows1, g1).start()

        @pl.loop(0, pairs)
        def _(k):
            ca = cbase + 2 * k
            gather_desc(idx0, rows0, g0).wait()
            store_desc(ca, rows0, s0).start()
            gather_desc(idx1, rows1, g1).wait()
            store_desc(ca + 1, rows1, s1).start()

            @pl.when(k < pairs - 1)
            def _():
                load_idx(ca + 2, idx0)
                store_desc(ca, rows0, s0).wait()
                gather_desc(idx0, rows0, g0).start()
                load_idx(ca + 3, idx1)
                store_desc(ca + 1, rows1, s1).wait()
                gather_desc(idx1, rows1, g1).start()

        store_desc(cbase + 2 * pairs - 2, rows0, s0).wait()
        store_desc(cbase + 2 * pairs - 1, rows1, s1).wait()

        if odd_tail:
            last = cbase + per_worker - 1
            load_idx(last, idx0)
            gather_desc(idx0, rows0, g0).start()
            gather_desc(idx0, rows0, g0).wait()
            store_desc(last, rows0, s0).start()
            store_desc(last, rows0, s0).wait()

    return gather_kernel(embed_lookup, idx_t)


def _relayout(flat1d, hist, dim, batch):
    blk = 256
    n_units = hist * (batch // blk)
    per_worker = n_units // NUM_WORKERS
    half = per_worker // 2
    chunk_elems = blk * dim

    mesh = plsc.VectorSubcoreMesh(core_axis_name="c", subcore_axis_name="s")

    @pl.kernel(
        out_type=jax.ShapeDtypeStruct((hist, dim, batch), jnp.float32),
        mesh=mesh,
        compiler_params=pltpu.CompilerParams(needs_layout_passes=False),
        scratch_types=[
            pltpu.VMEM((chunk_elems,), jnp.float32),
            pltpu.VMEM((chunk_elems,), jnp.float32),
            pltpu.VMEM((dim, blk + 5), jnp.float32),
            pltpu.VMEM((dim, blk + 5), jnp.float32),
            pltpu.SemaphoreType.DMA,
            pltpu.SemaphoreType.DMA,
            pltpu.SemaphoreType.DMA,
            pltpu.SemaphoreType.DMA,
        ],
    )
    def relayout_kernel(in_hbm, out_hbm, x0, x1, o0, o1, l0, l1, s0, s1):
        wid = lax.axis_index("s") * NUM_CORES + lax.axis_index("c")
        ubase = wid * per_worker

        def unit_hb(u):
            return u // (batch // blk), u % (batch // blk)

        def load_desc(u, x_v, sem):
            h, b = unit_hb(u)
            base = (h * batch + b * blk) * dim
            return pltpu.make_async_copy(
                in_hbm.at[pl.ds(base, chunk_elems)], x_v, sem
            )

        def store_desc(u, o_v, sem):
            h, b = unit_hb(u)
            return pltpu.make_async_copy(
                o_v.at[:, pl.ds(0, blk)],
                out_hbm.at[h, :, pl.ds(b * blk, blk)],
                sem,
            )

        def transpose(x_v, o_v):
            iota = lax.iota(jnp.int32, LANES)
            zero = iota * 0
            rows = [iota + d0 for d0 in range(0, dim, LANES)]

            @plsc.parallel_loop(0, blk, unroll=16)
            def _(c):
                idx_c = zero + c
                for i, d0 in enumerate(range(0, dim, LANES)):
                    vec = x_v[pl.ds(c * dim + d0, LANES)]
                    plsc.store_scatter(o_v, [rows[i], idx_c], vec)

        load_desc(ubase, x0, l0).start()
        load_desc(ubase + 1, x1, l1).start()

        @pl.loop(0, half)
        def _(k):
            ua = ubase + 2 * k
            ub = ua + 1

            load_desc(ua, x0, l0).wait()

            @pl.when(k > 0)
            def _():
                store_desc(ua - 2, o0, s0).wait()

            transpose(x0, o0)
            store_desc(ua, o0, s0).start()

            @pl.when(k < half - 1)
            def _():
                load_desc(ua + 2, x0, l0).start()

            load_desc(ub, x1, l1).wait()

            @pl.when(k > 0)
            def _():
                store_desc(ub - 2, o1, s1).wait()

            transpose(x1, o1)
            store_desc(ub, o1, s1).start()

            @pl.when(k < half - 1)
            def _():
                load_desc(ub + 2, x1, l1).start()

        store_desc(ubase + per_worker - 2, o0, s0).wait()
        store_desc(ubase + per_worker - 1, o1, s1).wait()

    return relayout_kernel(flat1d)


def kernel(inputs, embed_lookup):
    batch, hist = inputs.shape
    dim = embed_lookup.shape[1]
    num_indices = batch * hist

    flat = _gather_flat(embed_lookup, jnp.transpose(inputs), num_indices, dim)
    o_t = _relayout(flat.reshape(num_indices * dim), hist, dim, batch)
    return jnp.transpose(o_t, (2, 0, 1))

# --- scband reference (transcript-rebuilt; emitter-appended) ---
"""Pipeline reference for scband-embed-layer-20289425507070 (READ-ONLY COPY).

The authoritative reference and input builder live on the scoring server;
editing this copy changes nothing except your own understanding.
"""

import jax, jax.numpy as jnp
import numpy as np

VOCAB = 1000000
EMBED_DIM = 32
BATCH = 16384
HIST = 50

def setup_inputs(seed: int = 0) -> dict:
    key = jax.random.key(seed)
    k_idx, k_tab = jax.random.split(key)
    inputs = jax.random.randint(k_idx, (BATCH, HIST), 0, VOCAB, dtype=jnp.int64 if jax.config.jax_enable_x64 else jnp.int32)
    embed_lookup = jax.random.normal(k_tab, (VOCAB, EMBED_DIM), dtype=jnp.float32) * 0.02
    return {"inputs": inputs, "embed_lookup": embed_lookup}

def reference(inputs, embed_lookup):
    if not jnp.issubdtype(inputs.dtype, jnp.integer):
        raise ValueError('inputs to embed layer must be integer or integer subtype')
    return jnp.take(jnp.asarray(embed_lookup, dtype=jnp.float32), inputs, axis=0)

if __name__ == "__main__":
    import jax
    _d = setup_inputs()
    print(jax.jit(kernel)(*tuple(_d.values())))

</pallas_src>

<mosaic_0001>
#map = affine_map<(d0, d1) -> (0, 0)>
module attributes {stable_mosaic.version = 14 : i64} {
  func.func @gather_kernel(%arg0: i32, %arg1: i32, %arg2: memref<1000000x32xf32, #tpu.memory_space<hbm>>, %arg3: memref<50x16384xi32, #tpu.memory_space<hbm>>, %arg4: memref<819200x32xf32, #tpu.memory_space<hbm>>, %arg5: memref<1024xi32, #tpu.memory_space<vmem>>, %arg6: memref<1024xi32, #tpu.memory_space<vmem>>, %arg7: memref<1024x32xf32, #tpu.memory_space<vmem>>, %arg8: memref<1024x32xf32, #tpu.memory_space<vmem>>, %arg9: memref<!tpu.dma_semaphore, #tpu.memory_space<semaphore_mem>>, %arg10: memref<!tpu.dma_semaphore, #tpu.memory_space<semaphore_mem>>, %arg11: memref<!tpu.dma_semaphore, #tpu.memory_space<semaphore_mem>>, %arg12: memref<!tpu.dma_semaphore, #tpu.memory_space<semaphore_mem>>) attributes {dimension_semantics = [#tpu.dimension_semantics<core_parallel>, #tpu.dimension_semantics<subcore_parallel>], iteration_bounds = array<i64: 2, 16>, scalar_prefetch = 0 : i64, scratch_operands = 8 : i64, tpu.core_type = #tpu.core_type<sc_vector_subcore>, window_params = [{transform_indices = #map}, {transform_indices = #map}, {transform_indices = #map}]} {
    %mul3A = arith.constant 2 : i32
    %mul3A_0 = arith.muli %arg1, %mul3A : i32
    %add3A = arith.addi %mul3A_0, %arg0 : i32
    %mul3A_1 = arith.constant 25 : i32
    %mul3A_2 = arith.muli %add3A, %mul3A_1 : i32
    %jit3A = arith.constant 16 : i32
    %div3A = arith.divsi %mul3A_2, %jit3A : i32
    %sign3A = arith.constant 0 : i32
    %sign3A_3 = arith.cmpi sgt, %mul3A_2, %sign3A : i32
    %sign3A_4 = arith.extui %sign3A_3 : i1 to i32
    %sign3A_5 = arith.constant 0 : i32
    %sign3A_6 = arith.cmpi slt, %mul3A_2, %sign3A_5 : i32
    %sign3A_7 = arith.extui %sign3A_6 : i1 to i32
    %sign3A_8 = arith.subi %sign3A_4, %sign3A_7 : i32
    %sign3A_9 = arith.constant 0 : i32
    %sign3A_10 = arith.cmpi sgt, %jit3A, %sign3A_9 : i32
    %sign3A_11 = arith.extui %sign3A_10 : i1 to i32
    %sign3A_12 = arith.constant 0 : i32
    %sign3A_13 = arith.cmpi slt, %jit3A, %sign3A_12 : i32
    %sign3A_14 = arith.extui %sign3A_13 : i1 to i32
    %sign3A_15 = arith.subi %sign3A_11, %sign3A_14 : i32
    %ne3A = arith.cmpi ne, %sign3A_8, %sign3A_15 : i32
    %rem3A = arith.remsi %mul3A_2, %jit3A : i32
    %ne3A_16 = arith.constant 0 : i32
    %ne3A_17 = arith.cmpi ne, %rem3A, %ne3A_16 : i32
    %and3A = arith.andi %ne3A, %ne3A_17 : i1
    %sub3A = arith.constant 1 : i32
    %sub3A_18 = arith.subi %div3A, %sub3A : i32
    %select_n3A = arith.select %and3A, %sub3A_18, %div3A : i32
    %jit3A_19 = arith.constant 16 : i32
    %eq3A = arith.constant 0 : i32
    %eq3A_20 = arith.cmpi eq, %jit3A_19, %eq3A : i32
    %jit3A_21 = arith.constant 1 : i32
    %select_n3A_22 = arith.select %eq3A_20, %jit3A_21, %jit3A_19 : i32
    %rem3A_23 = arith.remsi %mul3A_2, %select_n3A_22 : i32
    %ne3A_24 = arith.constant 0 : i32
    %ne3A_25 = arith.cmpi ne, %rem3A_23, %ne3A_24 : i32
    %lt3A = arith.constant 0 : i32
    %lt3A_26 = arith.cmpi slt, %rem3A_23, %lt3A : i32
    %lt3A_27 = arith.constant 0 : i32
    %lt3A_28 = arith.cmpi slt, %select_n3A_22, %lt3A_27 : i32
    %ne3A_29 = arith.xori %lt3A_26, %lt3A_28 : i1
    %and3A_30 = arith.andi %ne3A_29, %ne3A_25 : i1
    %add3A_31 = arith.addi %rem3A_23, %select_n3A_22 : i32
    %select_n3A_32 = arith.select %and3A_30, %add3A_31, %rem3A_23 : i32
    %mul3A_33 = arith.constant 1024 : i32
    %mul3A_34 = arith.muli %select_n3A_32, %mul3A_33 : i32
    "tpu.region"() ({
      %run_scoped3A = tpu.sem_alloc : memref<!tpu.dma_semaphore, #tpu.memory_space<semaphore_mem>>
      %dma_start3A_171 = tpu.memref_slice %arg3[%select_n3A, %mul3A_34] : memref<50x16384xi32, #tpu.memory_space<hbm>> -> memref<1x1024xi32, #tpu.memory_space<hbm>>
      %dma_start3A_172 = tpu.memref_squeeze %dma_start3A_171 : memref<1x1024xi32, #tpu.memory_space<hbm>> -> memref<1024xi32, #tpu.memory_space<hbm>>
      %dma_start3A_173 = tpu.memref_slice %arg3[%select_n3A, %mul3A_34] : memref<50x16384xi32, #tpu.memory_space<hbm>> -> memref<1x1024xi32, #tpu.memory_space<hbm>>
      %dma_start3A_174 = tpu.memref_squeeze %dma_start3A_173 : memref<1x1024xi32, #tpu.memory_space<hbm>> -> memref<1024xi32, #tpu.memory_space<hbm>>
      tpu.enqueue_dma source(%dma_start3A_174 : memref<1024xi32, #tpu.memory_space<hbm>>) target(%arg5 : memref<1024xi32, #tpu.memory_space<vmem>>) target_semaphore(%run_scoped3A : memref<!tpu.dma_semaphore, #tpu.memory_space<semaphore_mem>>)
      %dma_wait3A_175 = tpu.memref_slice %arg3[%select_n3A, %mul3A_34] : memref<50x16384xi32, #tpu.memory_space<hbm>> -> memref<1x1024xi32, #tpu.memory_space<hbm>>
      %dma_wait3A_176 = tpu.memref_squeeze %dma_wait3A_175 : memref<1x1024xi32, #tpu.memory_space<hbm>> -> memref<1024xi32, #tpu.memory_space<hbm>>
      %dma_wait3A_177 = tpu.memref_slice %arg3[%select_n3A, %mul3A_34] : memref<50x16384xi32, #tpu.memory_space<hbm>> -> memref<1x1024xi32, #tpu.memory_space<hbm>>
      %dma_wait3A_178 = tpu.memref_squeeze %dma_wait3A_177 : memref<1x1024xi32, #tpu.memory_space<hbm>> -> memref<1024xi32, #tpu.memory_space<hbm>>
      tpu.wait_dma2 semaphore(%run_scoped3A : memref<!tpu.dma_semaphore, #tpu.memory_space<semaphore_mem>>) src(%dma_wait3A_178 : memref<1024xi32, #tpu.memory_space<hbm>>) dst(%arg5 : memref<1024xi32, #tpu.memory_space<vmem>>)
      tpu.yield
    }) : () -> ()
    %dma_start3A = arith.constant 0 : i32
    %dma_start3A_35 = arith.constant 0 : i32
    %dma_start3A_36 = tpu.memref_slice %arg2[%dma_start3A, %dma_start3A_35] : memref<1000000x32xf32, #tpu.memory_space<hbm>> -> memref<1000000x32xf32, #tpu.memory_space<hbm>>
    tpu.enqueue_indirect_dma source(%dma_start3A_36 : memref<1000000x32xf32, #tpu.memory_space<hbm>>) target(%arg7 : memref<1024x32xf32, #tpu.memory_space<vmem>>) offsets(%arg5 : memref<1024xi32, #tpu.memory_space<vmem>>) semaphore(%arg9 : memref<!tpu.dma_semaphore, #tpu.memory_space<semaphore_mem>>)
    %add3A_37 = arith.constant 1 : i32
    %add3A_38 = arith.addi %mul3A_2, %add3A_37 : i32
    %jit3A_39 = arith.constant 16 : i32
    %div3A_40 = arith.divsi %add3A_38, %jit3A_39 : i32
    %sign3A_41 = arith.constant 0 : i32
    %sign3A_42 = arith.cmpi sgt, %add3A_38, %sign3A_41 : i32
    %sign3A_43 = arith.extui %sign3A_42 : i1 to i32
    %sign3A_44 = arith.constant 0 : i32
    %sign3A_45 = arith.cmpi slt, %add3A_38, %sign3A_44 : i32
    %sign3A_46 = arith.extui %sign3A_45 : i1 to i32
    %sign3A_47 = arith.subi %sign3A_43, %sign3A_46 : i32
    %sign3A_48 = arith.constant 0 : i32
    %sign3A_49 = arith.cmpi sgt, %jit3A_39, %sign3A_48 : i32
    %sign3A_50 = arith.extui %sign3A_49 : i1 to i32
    %sign3A_51 = arith.constant 0 : i32
    %sign3A_52 = arith.cmpi slt, %jit3A_39, %sign3A_51 : i32
    %sign3A_53 = arith.extui %sign3A_52 : i1 to i32
    %sign3A_54 = arith.subi %sign3A_50, %sign3A_53 : i32
    %ne3A_55 = arith.cmpi ne, %sign3A_47, %sign3A_54 : i32
    %rem3A_56 = arith.remsi %add3A_38, %jit3A_39 : i32
    %ne3A_57 = arith.constant 0 : i32
    %ne3A_58 = arith.cmpi ne, %rem3A_56, %ne3A_57 : i32
    %and3A_59 = arith.andi %ne3A_55, %ne3A_58 : i1
    %sub3A_60 = arith.constant 1 : i32
    %sub3A_61 = arith.subi %div3A_40, %sub3A_60 : i32
    %select_n3A_62 = arith.select %and3A_59, %sub3A_61, %div3A_40 : i32
    %jit3A_63 = arith.constant 16 : i32
    %eq3A_64 = arith.constant 0 : i32
    %eq3A_65 = arith.cmpi eq, %jit3A_63, %eq3A_64 : i32
    %jit3A_66 = arith.constant 1 : i32
    %select_n3A_67 = arith.select %eq3A_65, %jit3A_66, %jit3A_63 : i32
    %rem3A_68 = arith.remsi %add3A_38, %select_n3A_67 : i32
    %ne3A_69 = arith.constant 0 : i32
    %ne3A_70 = arith.cmpi ne, %rem3A_68, %ne3A_69 : i32
    %lt3A_71 = arith.constant 0 : i32
    %lt3A_72 = arith.cmpi slt, %rem3A_68, %lt3A_71 : i32
    %lt3A_73 = arith.constant 0 : i32
    %lt3A_74 = arith.cmpi slt, %select_n3A_67, %lt3A_73 : i32
    %ne3A_75 = arith.xori %lt3A_72, %lt3A_74 : i1
    %and3A_76 = arith.andi %ne3A_75, %ne3A_70 : i1
    %add3A_77 = arith.addi %rem3A_68, %select_n3A_67 : i32
    %select_n3A_78 = arith.select %and3A_76, %add3A_77, %rem3A_68 : i32
    %mul3A_79 = arith.constant 1024 : i32
    %mul3A_80 = arith.muli %select_n3A_78, %mul3A_79 : i32
    "tpu.region"() ({
      %run_scoped3A = tpu.sem_alloc : memref<!tpu.dma_semaphore, #tpu.memory_space<semaphore_mem>>
      %dma_start3A_171 = tpu.memref_slice %arg3[%select_n3A_62, %mul3A_80] : memref<50x16384xi32, #tpu.memory_space<hbm>> -> memref<1x1024xi32, #tpu.memory_space<hbm>>
      %dma_start3A_172 = tpu.memref_squeeze %dma_start3A_171 : memref<1x1024xi32, #tpu.memory_space<hbm>> -> memref<1024xi32, #tpu.memory_space<hbm>>
      %dma_start3A_173 = tpu.memref_slice %arg3[%select_n3A_62, %mul3A_80] : memref<50x16384xi32, #tpu.memory_space<hbm>> -> memref<1x1024xi32, #tpu.memory_space<hbm>>
      %dma_start3A_174 = tpu.memref_squeeze %dma_start3A_173 : memref<1x1024xi32, #tpu.memory_space<hbm>> -> memref<1024xi32, #tpu.memory_space<hbm>>
      tpu.enqueue_dma source(%dma_start3A_174 : memref<1024xi32, #tpu.memory_space<hbm>>) target(%arg6 : memref<1024xi32, #tpu.memory_space<vmem>>) target_semaphore(%run_scoped3A : memref<!tpu.dma_semaphore, #tpu.memory_space<semaphore_mem>>)
      %dma_wait3A_175 = tpu.memref_slice %arg3[%select_n3A_62, %mul3A_80] : memref<50x16384xi32, #tpu.memory_space<hbm>> -> memref<1x1024xi32, #tpu.memory_space<hbm>>
      %dma_wait3A_176 = tpu.memref_squeeze %dma_wait3A_175 : memref<1x1024xi32, #tpu.memory_space<hbm>> -> memref<1024xi32, #tpu.memory_space<hbm>>
      %dma_wait3A_177 = tpu.memref_slice %arg3[%select_n3A_62, %mul3A_80] : memref<50x16384xi32, #tpu.memory_space<hbm>> -> memref<1x1024xi32, #tpu.memory_space<hbm>>
      %dma_wait3A_178 = tpu.memref_squeeze %dma_wait3A_177 : memref<1x1024xi32, #tpu.memory_space<hbm>> -> memref<1024xi32, #tpu.memory_space<hbm>>
      tpu.wait_dma2 semaphore(%run_scoped3A : memref<!tpu.dma_semaphore, #tpu.memory_space<semaphore_mem>>) src(%dma_wait3A_178 : memref<1024xi32, #tpu.memory_space<hbm>>) dst(%arg6 : memref<1024xi32, #tpu.memory_space<vmem>>)
      tpu.yield
    }) : () -> ()
    %dma_start3A_81 = arith.constant 0 : i32
    %dma_start3A_82 = arith.constant 0 : i32
    %dma_start3A_83 = tpu.memref_slice %arg2[%dma_start3A_81, %dma_start3A_82] : memref<1000000x32xf32, #tpu.memory_space<hbm>> -> memref<1000000x32xf32, #tpu.memory_space<hbm>>
    tpu.enqueue_indirect_dma source(%dma_start3A_83 : memref<1000000x32xf32, #tpu.memory_space<hbm>>) target(%arg8 : memref<1024x32xf32, #tpu.memory_space<vmem>>) offsets(%arg6 : memref<1024xi32, #tpu.memory_space<vmem>>) semaphore(%arg10 : memref<!tpu.dma_semaphore, #tpu.memory_space<semaphore_mem>>)
    %scan3A = arith.constant 0 : i32
    %scan3A_84 = arith.constant 12 : i32
    %scan3A_85 = arith.addi %scan3A, %scan3A_84 : i32
    %scan3A_86 = arith.constant 1 : i32
    scf.for %scan3A_171 = %scan3A to %scan3A_85 step %scan3A_86  : i32 {
      %mul3A_172 = arith.constant 1 : i32
      %mul3A_173 = arith.muli %scan3A_171, %mul3A_172 : i32
      %add3A_174 = arith.constant 0 : i32
      %add3A_175 = arith.addi %add3A_174, %mul3A_173 : i32
      %mul3A_176 = arith.constant 2 : i32
      %mul3A_177 = arith.muli %mul3A_176, %add3A_175 : i32
      %add3A_178 = arith.addi %mul3A_2, %mul3A_177 : i32
      %dma_wait3A_179 = arith.constant 0 : i32
      %dma_wait3A_180 = arith.constant 0 : i32
      %dma_wait3A_181 = tpu.memref_slice %arg2[%dma_wait3A_179, %dma_wait3A_180] : memref<1000000x32xf32, #tpu.memory_space<hbm>> -> memref<1000000x32xf32, #tpu.memory_space<hbm>>
      tpu.wait_indirect_dma semaphore(%arg9 : memref<!tpu.dma_semaphore, #tpu.memory_space<semaphore_mem>>) src(%dma_wait3A_181 : memref<1000000x32xf32, #tpu.memory_space<hbm>>) dst(%arg7 : memref<1024x32xf32, #tpu.memory_space<vmem>>)
      %mul3A_182 = arith.constant 1024 : i32
      %mul3A_183 = arith.muli %add3A_178, %mul3A_182 : i32
      %dma_start3A_184 = arith.constant 0 : i32
      %dma_start3A_185 = tpu.memref_slice %arg4[%mul3A_183, %dma_start3A_184] : memref<819200x32xf32, #tpu.memory_space<hbm>> -> memref<1024x32xf32, #tpu.memory_space<hbm>>
      %dma_start3A_186 = arith.constant 0 : i32
      %dma_start3A_187 = tpu.memref_slice %arg4[%mul3A_183, %dma_start3A_186] : memref<819200x32xf32, #tpu.memory_space<hbm>> -> memref<1024x32xf32, #tpu.memory_space<hbm>>
      tpu.enqueue_dma source(%arg7 : memref<1024x32xf32, #tpu.memory_space<vmem>>) target(%dma_start3A_187 : memref<1024x32xf32, #tpu.memory_space<hbm>>) target_semaphore(%arg11 : memref<!tpu.dma_semaphore, #tpu.memory_space<semaphore_mem>>)
      %dma_wait3A_188 = arith.constant 0 : i32
      %dma_wait3A_189 = arith.constant 0 : i32
      %dma_wait3A_190 = tpu.memref_slice %arg2[%dma_wait3A_188, %dma_wait3A_189] : memref<1000000x32xf32, #tpu.memory_space<hbm>> -> memref<1000000x32xf32, #tpu.memory_space<hbm>>
      tpu.wait_indirect_dma semaphore(%arg10 : memref<!tpu.dma_semaphore, #tpu.memory_space<semaphore_mem>>) src(%dma_wait3A_190 : memref<1000000x32xf32, #tpu.memory_space<hbm>>) dst(%arg8 : memref<1024x32xf32, #tpu.memory_space<vmem>>)
      %add3A_191 = arith.constant 1 : i32
      %add3A_192 = arith.addi %add3A_178, %add3A_191 : i32
      %mul3A_193 = arith.constant 1024 : i32
      %mul3A_194 = arith.muli %add3A_192, %mul3A_193 : i32
      %dma_start3A_195 = arith.constant 0 : i32
      %dma_start3A_196 = tpu.memref_slice %arg4[%mul3A_194, %dma_start3A_195] : memref<819200x32xf32, #tpu.memory_space<hbm>> -> memref<1024x32xf32, #tpu.memory_space<hbm>>
      %dma_start3A_197 = arith.constant 0 : i32
      %dma_start3A_198 = tpu.memref_slice %arg4[%mul3A_194, %dma_start3A_197] : memref<819200x32xf32, #tpu.memory_space<hbm>> -> memref<1024x32xf32, #tpu.memory_space<hbm>>
      tpu.enqueue_dma source(%arg8 : memref<1024x32xf32, #tpu.memory_space<vmem>>) target(%dma_start3A_198 : memref<1024x32xf32, #tpu.memory_space<hbm>>) target_semaphore(%arg12 : memref<!tpu.dma_semaphore, #tpu.memory_space<semaphore_mem>>)
      %lt3A_199 = arith.constant 11 : i32
      %lt3A_200 = arith.cmpi slt, %add3A_175, %lt3A_199 : i32
      %convert_element_type3A = arith.extui %lt3A_200 : i1 to i32
      %cond3A = arith.constant 0 : i32
      %cond3A_201 = arith.cmpi ne, %convert_element_type3A, %cond3A : i32
      scf.if %cond3A_201 {
        %add3A_202 = arith.constant 2 : i32
        %add3A_203 = arith.addi %add3A_178, %add3A_202 : i32
        %jit3A_204 = arith.constant 16 : i32
        %div3A_205 = arith.divsi %add3A_203, %jit3A_204 : i32
        %sign3A_206 = arith.constant 0 : i32
        %sign3A_207 = arith.cmpi sgt, %add3A_203, %sign3A_206 : i32
        %sign3A_208 = arith.extui %sign3A_207 : i1 to i32
        %sign3A_209 = arith.constant 0 : i32
        %sign3A_210 = arith.cmpi slt, %add3A_203, %sign3A_209 : i32
        %sign3A_211 = arith.extui %sign3A_210 : i1 to i32
        %sign3A_212 = arith.subi %sign3A_208, %sign3A_211 : i32
        %sign3A_213 = arith.constant 0 : i32
        %sign3A_214 = arith.cmpi sgt, %jit3A_204, %sign3A_213 : i32
        %sign3A_215 = arith.extui %sign3A_214 : i1 to i32
        %sign3A_216 = arith.constant 0 : i32
        %sign3A_217 = arith.cmpi slt, %jit3A_204, %sign3A_216 : i32
        %sign3A_218 = arith.extui %sign3A_217 : i1 to i32
        %sign3A_219 = arith.subi %sign3A_215, %sign3A_218 : i32
        %ne3A_220 = arith.cmpi ne, %sign3A_212, %sign3A_219 : i32
        %rem3A_221 = arith.remsi %add3A_203, %jit3A_204 : i32
        %ne3A_222 = arith.constant 0 : i32
        %ne3A_223 = arith.cmpi ne, %rem3A_221, %ne3A_222 : i32
        %and3A_224 = arith.andi %ne3A_220, %ne3A_223 : i1
        %sub3A_225 = arith.constant 1 : i32
        %sub3A_226 = arith.subi %div3A_205, %sub3A_225 : i32
        %select_n3A_227 = arith.select %and3A_224, %sub3A_226, %div3A_205 : i32
        %jit3A_228 = arith.constant 16 : i32
        %eq3A_229 = arith.constant 0 : i32
        %eq3A_230 = arith.cmpi eq, %jit3A_228, %eq3A_229 : i32
        %jit3A_231 = arith.constant 1 : i32
        %select_n3A_232 = arith.select %eq3A_230, %jit3A_231, %jit3A_228 : i32
        %rem3A_233 = arith.remsi %add3A_203, %select_n3A_232 : i32
        %ne3A_234 = arith.constant 0 : i32
        %ne3A_235 = arith.cmpi ne, %rem3A_233, %ne3A_234 : i32
        %lt3A_236 = arith.constant 0 : i32
        %lt3A_237 = arith.cmpi slt, %rem3A_233, %lt3A_236 : i32
        %lt3A_238 = arith.constant 0 : i32
        %lt3A_239 = arith.cmpi slt, %select_n3A_232, %lt3A_238 : i32
        %ne3A_240 = arith.xori %lt3A_237, %lt3A_239 : i1
        %and3A_241 = arith.andi %ne3A_240, %ne3A_235 : i1
        %add3A_242 = arith.addi %rem3A_233, %select_n3A_232 : i32
        %select_n3A_243 = arith.select %and3A_241, %add3A_242, %rem3A_233 : i32
        %mul3A_244 = arith.constant 1024 : i32
        %mul3A_245 = arith.muli %select_n3A_243, %mul3A_244 : i32
        "tpu.region"() ({
          %run_scoped3A = tpu.sem_alloc : memref<!tpu.dma_semaphore, #tpu.memory_space<semaphore_mem>>
          %dma_start3A_310 = tpu.memref_slice %arg3[%select_n3A_227, %mul3A_245] : memref<50x16384xi32, #tpu.memory_space<hbm>> -> memref<1x1024xi32, #tpu.memory_space<hbm>>
          %dma_start3A_311 = tpu.memref_squeeze %dma_start3A_310 : memref<1x1024xi32, #tpu.memory_space<hbm>> -> memref<1024xi32, #tpu.memory_space<hbm>>
          %dma_start3A_312 = tpu.memref_slice %arg3[%select_n3A_227, %mul3A_245] : memref<50x16384xi32, #tpu.memory_space<hbm>> -> memref<1x1024xi32, #tpu.memory_space<hbm>>
          %dma_start3A_313 = tpu.memref_squeeze %dma_start3A_312 : memref<1x1024xi32, #tpu.memory_space<hbm>> -> memref<1024xi32, #tpu.memory_space<hbm>>
          tpu.enqueue_dma source(%dma_start3A_313 : memref<1024xi32, #tpu.memory_space<hbm>>) target(%arg5 : memref<1024xi32, #tpu.memory_space<vmem>>) target_semaphore(%run_scoped3A : memref<!tpu.dma_semaphore, #tpu.memory_space<semaphore_mem>>)
          %dma_wait3A_314 = tpu.memref_slice %arg3[%select_n3A_227, %mul3A_245] : memref<50x16384xi32, #tpu.memory_space<hbm>> -> memref<1x1024xi32, #tpu.memory_space<hbm>>
          %dma_wait3A_315 = tpu.memref_squeeze %dma_wait3A_314 : memref<1x1024xi32, #tpu.memory_space<hbm>> -> memref<1024xi32, #tpu.memory_space<hbm>>
          %dma_wait3A_316 = tpu.memref_slice %arg3[%select_n3A_227, %mul3A_245] : memref<50x16384xi32, #tpu.memory_space<hbm>> -> memref<1x1024xi32, #tpu.memory_space<hbm>>
          %dma_wait3A_317 = tpu.memref_squeeze %dma_wait3A_316 : memref<1x1024xi32, #tpu.memory_space<hbm>> -> memref<1024xi32, #tpu.memory_space<hbm>>
          tpu.wait_dma2 semaphore(%run_scoped3A : memref<!tpu.dma_semaphore, #tpu.memory_space<semaphore_mem>>) src(%dma_wait3A_317 : memref<1024xi32, #tpu.memory_space<hbm>>) dst(%arg5 : memref<1024xi32, #tpu.memory_space<vmem>>)
          tpu.yield
        }) : () -> ()
        %mul3A_246 = arith.constant 1024 : i32
        %mul3A_247 = arith.muli %add3A_178, %mul3A_246 : i32
        %dma_wait3A_248 = arith.constant 0 : i32
        %dma_wait3A_249 = tpu.memref_slice %arg4[%mul3A_247, %dma_wait3A_248] : memref<819200x32xf32, #tpu.memory_space<hbm>> -> memref<1024x32xf32, #tpu.memory_space<hbm>>
        %dma_wait3A_250 = arith.constant 0 : i32
        %dma_wait3A_251 = tpu.memref_slice %arg4[%mul3A_247, %dma_wait3A_250] : memref<819200x32xf32, #tpu.memory_space<hbm>> -> memref<1024x32xf32, #tpu.memory_space<hbm>>
        tpu.wait_dma2 semaphore(%arg11 : memref<!tpu.dma_semaphore, #tpu.memory_space<semaphore_mem>>) src(%arg7 : memref<1024x32xf32, #tpu.memory_space<vmem>>) dst(%dma_wait3A_251 : memref<1024x32xf32, #tpu.memory_space<hbm>>)
        %dma_start3A_252 = arith.constant 0 : i32
        %dma_start3A_253 = arith.constant 0 : i32
        %dma_start3A_254 = tpu.memref_slice %arg2[%dma_start3A_252, %dma_start3A_253] : memref<1000000x32xf32, #tpu.memory_space<hbm>> -> memref<1000000x32xf32, #tpu.memory_space<hbm>>
        tpu.enqueue_indirect_dma source(%dma_start3A_254 : memref<1000000x32xf32, #tpu.memory_space<hbm>>) target(%arg7 : memref<1024x32xf32, #tpu.memory_space<vmem>>) offsets(%arg5 : memref<1024xi32, #tpu.memory_space<vmem>>) semaphore(%arg9 : memref<!tpu.dma_semaphore, #tpu.memory_space<semaphore_mem>>)
        %add3A_255 = arith.constant 3 : i32
        %add3A_256 = arith.addi %add3A_178, %add3A_255 : i32
        %jit3A_257 = arith.constant 16 : i32
        %div3A_258 = arith.divsi %add3A_256, %jit3A_257 : i32
        %sign3A_259 = arith.constant 0 : i32
        %sign3A_260 = arith.cmpi sgt, %add3A_256, %sign3A_259 : i32
        %sign3A_261 = arith.extui %sign3A_260 : i1 to i32
        %sign3A_262 = arith.constant 0 : i32
        %sign3A_263 = arith.cmpi slt, %add3A_256, %sign3A_262 : i32
        %sign3A_264 = arith.extui %sign3A_263 : i1 to i32
        %sign3A_265 = arith.subi %sign3A_261, %sign3A_264 : i32
        %sign3A_266 = arith.constant 0 : i32
        %sign3A_267 = arith.cmpi sgt, %jit3A_257, %sign3A_266 : i32
        %sign3A_268 = arith.extui %sign3A_267 : i1 to i32
        %sign3A_269 = arith.constant 0 : i32
        %sign3A_270 = arith.cmpi slt, %jit3A_257, %sign3A_269 : i32
        %sign3A_271 = arith.extui %sign3A_270 : i1 to i32
        %sign3A_272 = arith.subi %sign3A_268, %sign3A_271 : i32
        %ne3A_273 = arith.cmpi ne, %sign3A_265, %sign3A_272 : i32
        %rem3A_274 = arith.remsi %add3A_256, %jit3A_257 : i32
        %ne3A_275 = arith.constant 0 : i32
        %ne3A_276 = arith.cmpi ne, %rem3A_274, %ne3A_275 : i32
        %and3A_277 = arith.andi %ne3A_273, %ne3A_276 : i1
        %sub3A_278 = arith.constant 1 : i32
        %sub3A_279 = arith.subi %div3A_258, %sub3A_278 : i32
        %select_n3A_280 = arith.select %and3A_277, %sub3A_279, %div3A_258 : i32
        %jit3A_281 = arith.constant 16 : i32
        %eq3A_282 = arith.constant 0 : i32
        %eq3A_283 = arith.cmpi eq, %jit3A_281, %eq3A_282 : i32
        %jit3A_284 = arith.constant 1 : i32
        %select_n3A_285 = arith.select %eq3A_283, %jit3A_284, %jit3A_281 : i32
        %rem3A_286 = arith.remsi %add3A_256, %select_n3A_285 : i32
        %ne3A_287 = arith.constant 0 : i32
        %ne3A_288 = arith.cmpi ne, %rem3A_286, %ne3A_287 : i32
        %lt3A_289 = arith.constant 0 : i32
        %lt3A_290 = arith.cmpi slt, %rem3A_286, %lt3A_289 : i32
        %lt3A_291 = arith.constant 0 : i32
        %lt3A_292 = arith.cmpi slt, %select_n3A_285, %lt3A_291 : i32
        %ne3A_293 = arith.xori %lt3A_290, %lt3A_292 : i1
        %and3A_294 = arith.andi %ne3A_293, %ne3A_288 : i1
        %add3A_295 = arith.addi %rem3A_286, %select_n3A_285 : i32
        %select_n3A_296 = arith.select %and3A_294, %add3A_295, %rem3A_286 : i32
        %mul3A_297 = arith.constant 1024 : i32
        %mul3A_298 = arith.muli %select_n3A_296, %mul3A_297 : i32
        "tpu.region"() ({
          %run_scoped3A = tpu.sem_alloc : memref<!tpu.dma_semaphore, #tpu.memory_space<semaphore_mem>>
          %dma_start3A_310 = tpu.memref_slice %arg3[%select_n3A_280, %mul3A_298] : memref<50x16384xi32, #tpu.memory_space<hbm>> -> memref<1x1024xi32, #tpu.memory_space<hbm>>
          %dma_start3A_311 = tpu.memref_squeeze %dma_start3A_310 : memref<1x1024xi32, #tpu.memory_space<hbm>> -> memref<1024xi32, #tpu.memory_space<hbm>>
          %dma_start3A_312 = tpu.memref_slice %arg3[%select_n3A_280, %mul3A_298] : memref<50x16384xi32, #tpu.memory_space<hbm>> -> memref<1x1024xi32, #tpu.memory_space<hbm>>
          %dma_start3A_313 = tpu.memref_squeeze %dma_start3A_312 : memref<1x1024xi32, #tpu.memory_space<hbm>> -> memref<1024xi32, #tpu.memory_space<hbm>>
          tpu.enqueue_dma source(%dma_start3A_313 : memref<1024xi32, #tpu.memory_space<hbm>>) target(%arg6 : memref<1024xi32, #tpu.memory_space<vmem>>) target_semaphore(%run_scoped3A : memref<!tpu.dma_semaphore, #tpu.memory_space<semaphore_mem>>)
          %dma_wait3A_314 = tpu.memref_slice %arg3[%select_n3A_280, %mul3A_298] : memref<50x16384xi32, #tpu.memory_space<hbm>> -> memref<1x1024xi32, #tpu.memory_space<hbm>>
          %dma_wait3A_315 = tpu.memref_squeeze %dma_wait3A_314 : memref<1x1024xi32, #tpu.memory_space<hbm>> -> memref<1024xi32, #tpu.memory_space<hbm>>
          %dma_wait3A_316 = tpu.memref_slice %arg3[%select_n3A_280, %mul3A_298] : memref<50x16384xi32, #tpu.memory_space<hbm>> -> memref<1x1024xi32, #tpu.memory_space<hbm>>
          %dma_wait3A_317 = tpu.memref_squeeze %dma_wait3A_316 : memref<1x1024xi32, #tpu.memory_space<hbm>> -> memref<1024xi32, #tpu.memory_space<hbm>>
          tpu.wait_dma2 semaphore(%run_scoped3A : memref<!tpu.dma_semaphore, #tpu.memory_space<semaphore_mem>>) src(%dma_wait3A_317 : memref<1024xi32, #tpu.memory_space<hbm>>) dst(%arg6 : memref<1024xi32, #tpu.memory_space<vmem>>)
          tpu.yield
        }) : () -> ()
        %add3A_299 = arith.constant 1 : i32
        %add3A_300 = arith.addi %add3A_178, %add3A_299 : i32
        %mul3A_301 = arith.constant 1024 : i32
        %mul3A_302 = arith.muli %add3A_300, %mul3A_301 : i32
        %dma_wait3A_303 = arith.constant 0 : i32
        %dma_wait3A_304 = tpu.memref_slice %arg4[%mul3A_302, %dma_wait3A_303] : memref<819200x32xf32, #tpu.memory_space<hbm>> -> memref<1024x32xf32, #tpu.memory_space<hbm>>
        %dma_wait3A_305 = arith.constant 0 : i32
        %dma_wait3A_306 = tpu.memref_slice %arg4[%mul3A_302, %dma_wait3A_305] : memref<819200x32xf32, #tpu.memory_space<hbm>> -> memref<1024x32xf32, #tpu.memory_space<hbm>>
        tpu.wait_dma2 semaphore(%arg12 : memref<!tpu.dma_semaphore, #tpu.memory_space<semaphore_mem>>) src(%arg8 : memref<1024x32xf32, #tpu.memory_space<vmem>>) dst(%dma_wait3A_306 : memref<1024x32xf32, #tpu.memory_space<hbm>>)
        %dma_start3A_307 = arith.constant 0 : i32
        %dma_start3A_308 = arith.constant 0 : i32
        %dma_start3A_309 = tpu.memref_slice %arg2[%dma_start3A_307, %dma_start3A_308] : memref<1000000x32xf32, #tpu.memory_space<hbm>> -> memref<1000000x32xf32, #tpu.memory_space<hbm>>
        tpu.enqueue_indirect_dma source(%dma_start3A_309 : memref<1000000x32xf32, #tpu.memory_space<hbm>>) target(%arg8 : memref<1024x32xf32, #tpu.memory_space<vmem>>) offsets(%arg6 : memref<1024xi32, #tpu.memory_space<vmem>>) semaphore(%arg10 : memref<!tpu.dma_semaphore, #tpu.memory_space<semaphore_mem>>)
      } else {
      }
    }
    %scan3A_87 = arith.constant 12 : i32
    %add3A_88 = arith.constant 24 : i32
    %add3A_89 = arith.addi %mul3A_2, %add3A_88 : i32
    %sub3A_90 = arith.constant 2 : i32
    %sub3A_91 = arith.subi %add3A_89, %sub3A_90 : i32
    %mul3A_92 = arith.constant 1024 : i32
    %mul3A_93 = arith.muli %sub3A_91, %mul3A_92 : i32
    %dma_wait3A = arith.constant 0 : i32
    %dma_wait3A_94 = tpu.memref_slice %arg4[%mul3A_93, %dma_wait3A] : memref<819200x32xf32, #tpu.memory_space<hbm>> -> memref<1024x32xf32, #tpu.memory_space<hbm>>
    %dma_wait3A_95 = arith.constant 0 : i32
    %dma_wait3A_96 = tpu.memref_slice %arg4[%mul3A_93, %dma_wait3A_95] : memref<819200x32xf32, #tpu.memory_space<hbm>> -> memref<1024x32xf32, #tpu.memory_space<hbm>>
    tpu.wait_dma2 semaphore(%arg11 : memref<!tpu.dma_semaphore, #tpu.memory_space<semaphore_mem>>) src(%arg7 : memref<1024x32xf32, #tpu.memory_space<vmem>>) dst(%dma_wait3A_96 : memref<1024x32xf32, #tpu.memory_space<hbm>>)
    %add3A_97 = arith.constant 24 : i32
    %add3A_98 = arith.addi %mul3A_2, %add3A_97 : i32
    %sub3A_99 = arith.constant 1 : i32
    %sub3A_100 = arith.subi %add3A_98, %sub3A_99 : i32
    %mul3A_101 = arith.constant 1024 : i32
    %mul3A_102 = arith.muli %sub3A_100, %mul3A_101 : i32
    %dma_wait3A_103 = arith.constant 0 : i32
    %dma_wait3A_104 = tpu.memref_slice %arg4[%mul3A_102, %dma_wait3A_103] : memref<819200x32xf32, #tpu.memory_space<hbm>> -> memref<1024x32xf32, #tpu.memory_space<hbm>>
    %dma_wait3A_105 = arith.constant 0 : i32
    %dma_wait3A_106 = tpu.memref_slice %arg4[%mul3A_102, %dma_wait3A_105] : memref<819200x32xf32, #tpu.memory_space<hbm>> -> memref<1024x32xf32, #tpu.memory_space<hbm>>
    tpu.wait_dma2 semaphore(%arg12 : memref<!tpu.dma_semaphore, #tpu.memory_space<semaphore_mem>>) src(%arg8 : memref<1024x32xf32, #tpu.memory_space<vmem>>) dst(%dma_wait3A_106 : memref<1024x32xf32, #tpu.memory_space<hbm>>)
    %add3A_107 = arith.constant 25 : i32
    %add3A_108 = arith.addi %mul3A_2, %add3A_107 : i32
    %sub3A_109 = arith.constant 1 : i32
    %sub3A_110 = arith.subi %add3A_108, %sub3A_109 : i32
    %jit3A_111 = arith.constant 16 : i32
    %div3A_112 = arith.divsi %sub3A_110, %jit3A_111 : i32
    %sign3A_113 = arith.constant 0 : i32
    %sign3A_114 = arith.cmpi sgt, %sub3A_110, %sign3A_113 : i32
    %sign3A_115 = arith.extui %sign3A_114 : i1 to i32
    %sign3A_116 = arith.constant 0 : i32
    %sign3A_117 = arith.cmpi slt, %sub3A_110, %sign3A_116 : i32
    %sign3A_118 = arith.extui %sign3A_117 : i1 to i32
    %sign3A_119 = arith.subi %sign3A_115, %sign3A_118 : i32
    %sign3A_120 = arith.constant 0 : i32
    %sign3A_121 = arith.cmpi sgt, %jit3A_111, %sign3A_120 : i32
    %sign3A_122 = arith.extui %sign3A_121 : i1 to i32
    %sign3A_123 = arith.constant 0 : i32
    %sign3A_124 = arith.cmpi slt, %jit3A_111, %sign3A_123 : i32
    %sign3A_125 = arith.extui %sign3A_124 : i1 to i32
    %sign3A_126 = arith.subi %sign3A_122, %sign3A_125 : i32
    %ne3A_127 = arith.cmpi ne, %sign3A_119, %sign3A_126 : i32
    %rem3A_128 = arith.remsi %sub3A_110, %jit3A_111 : i32
    %ne3A_129 = arith.constant 0 : i32
    %ne3A_130 = arith.cmpi ne, %rem3A_128, %ne3A_129 : i32
    %and3A_131 = arith.andi %ne3A_127, %ne3A_130 : i1
    %sub3A_132 = arith.constant 1 : i32
    %sub3A_133 = arith.subi %div3A_112, %sub3A_132 : i32
    %select_n3A_134 = arith.select %and3A_131, %sub3A_133, %div3A_112 : i32
    %jit3A_135 = arith.constant 16 : i32
    %eq3A_136 = arith.constant 0 : i32
    %eq3A_137 = arith.cmpi eq, %jit3A_135, %eq3A_136 : i32
    %jit3A_138 = arith.constant 1 : i32
    %select_n3A_139 = arith.select %eq3A_137, %jit3A_138, %jit3A_135 : i32
    %rem3A_140 = arith.remsi %sub3A_110, %select_n3A_139 : i32
    %ne3A_141 = arith.constant 0 : i32
    %ne3A_142 = arith.cmpi ne, %rem3A_140, %ne3A_141 : i32
    %lt3A_143 = arith.constant 0 : i32
    %lt3A_144 = arith.cmpi slt, %rem3A_140, %lt3A_143 : i32
    %lt3A_145 = arith.constant 0 : i32
    %lt3A_146 = arith.cmpi slt, %select_n3A_139, %lt3A_145 : i32
    %ne3A_147 = arith.xori %lt3A_144, %lt3A_146 : i1
    %and3A_148 = arith.andi %ne3A_147, %ne3A_142 : i1
    %add3A_149 = arith.addi %rem3A_140, %select_n3A_139 : i32
    %select_n3A_150 = arith.select %and3A_148, %add3A_149, %rem3A_140 : i32
    %mul3A_151 = arith.constant 1024 : i32
    %mul3A_152 = arith.muli %select_n3A_150, %mul3A_151 : i32
    "tpu.region"() ({
      %run_scoped3A = tpu.sem_alloc : memref<!tpu.dma_semaphore, #tpu.memory_space<semaphore_mem>>
      %dma_start3A_171 = tpu.memref_slice %arg3[%select_n3A_134, %mul3A_152] : memref<50x16384xi32, #tpu.memory_space<hbm>> -> memref<1x1024xi32, #tpu.memory_space<hbm>>
      %dma_start3A_172 = tpu.memref_squeeze %dma_start3A_171 : memref<1x1024xi32, #tpu.memory_space<hbm>> -> memref<1024xi32, #tpu.memory_space<hbm>>
      %dma_start3A_173 = tpu.memref_slice %arg3[%select_n3A_134, %mul3A_152] : memref<50x16384xi32, #tpu.memory_space<hbm>> -> memref<1x1024xi32, #tpu.memory_space<hbm>>
      %dma_start3A_174 = tpu.memref_squeeze %dma_start3A_173 : memref<1x1024xi32, #tpu.memory_space<hbm>> -> memref<1024xi32, #tpu.memory_space<hbm>>
      tpu.enqueue_dma source(%dma_start3A_174 : memref<1024xi32, #tpu.memory_space<hbm>>) target(%arg5 : memref<1024xi32, #tpu.memory_space<vmem>>) target_semaphore(%run_scoped3A : memref<!tpu.dma_semaphore, #tpu.memory_space<semaphore_mem>>)
      %dma_wait3A_175 = tpu.memref_slice %arg3[%select_n3A_134, %mul3A_152] : memref<50x16384xi32, #tpu.memory_space<hbm>> -> memref<1x1024xi32, #tpu.memory_space<hbm>>
      %dma_wait3A_176 = tpu.memref_squeeze %dma_wait3A_175 : memref<1x1024xi32, #tpu.memory_space<hbm>> -> memref<1024xi32, #tpu.memory_space<hbm>>
      %dma_wait3A_177 = tpu.memref_slice %arg3[%select_n3A_134, %mul3A_152] : memref<50x16384xi32, #tpu.memory_space<hbm>> -> memref<1x1024xi32, #tpu.memory_space<hbm>>
      %dma_wait3A_178 = tpu.memref_squeeze %dma_wait3A_177 : memref<1x1024xi32, #tpu.memory_space<hbm>> -> memref<1024xi32, #tpu.memory_space<hbm>>
      tpu.wait_dma2 semaphore(%run_scoped3A : memref<!tpu.dma_semaphore, #tpu.memory_space<semaphore_mem>>) src(%dma_wait3A_178 : memref<1024xi32, #tpu.memory_space<hbm>>) dst(%arg5 : memref<1024xi32, #tpu.memory_space<vmem>>)
      tpu.yield
    }) : () -> ()
    %dma_start3A_153 = arith.constant 0 : i32
    %dma_start3A_154 = arith.constant 0 : i32
    %dma_start3A_155 = tpu.memref_slice %arg2[%dma_start3A_153, %dma_start3A_154] : memref<1000000x32xf32, #tpu.memory_space<hbm>> -> memref<1000000x32xf32, #tpu.memory_space<hbm>>
    tpu.enqueue_indirect_dma source(%dma_start3A_155 : memref<1000000x32xf32, #tpu.memory_space<hbm>>) target(%arg7 : memref<1024x32xf32, #tpu.memory_space<vmem>>) offsets(%arg5 : memref<1024xi32, #tpu.memory_space<vmem>>) semaphore(%arg9 : memref<!tpu.dma_semaphore, #tpu.memory_space<semaphore_mem>>)
    %dma_wait3A_156 = arith.constant 0 : i32
    %dma_wait3A_157 = arith.constant 0 : i32
    %dma_wait3A_158 = tpu.memref_slice %arg2[%dma_wait3A_156, %dma_wait3A_157] : memref<1000000x32xf32, #tpu.memory_space<hbm>> -> memref<1000000x32xf32, #tpu.memory_space<hbm>>
    tpu.wait_indirect_dma semaphore(%arg9 : memref<!tpu.dma_semaphore, #tpu.memory_space<semaphore_mem>>) src(%dma_wait3A_158 : memref<1000000x32xf32, #tpu.memory_space<hbm>>) dst(%arg7 : memref<1024x32xf32, #tpu.memory_space<vmem>>)
    %mul3A_159 = arith.constant 1024 : i32
    %mul3A_160 = arith.muli %sub3A_110, %mul3A_159 : i32
    %dma_start3A_161 = arith.constant 0 : i32
    %dma_start3A_162 = tpu.memref_slice %arg4[%mul3A_160, %dma_start3A_161] : memref<819200x32xf32, #tpu.memory_space<hbm>> -> memref<1024x32xf32, #tpu.memory_space<hbm>>
    %dma_start3A_163 = arith.constant 0 : i32
    %dma_start3A_164 = tpu.memref_slice %arg4[%mul3A_160, %dma_start3A_163] : memref<819200x32xf32, #tpu.memory_space<hbm>> -> memref<1024x32xf32, #tpu.memory_space<hbm>>
    tpu.enqueue_dma source(%arg7 : memref<1024x32xf32, #tpu.memory_space<vmem>>) target(%dma_start3A_164 : memref<1024x32xf32, #tpu.memory_space<hbm>>) target_semaphore(%arg11 : memref<!tpu.dma_semaphore, #tpu.memory_space<semaphore_mem>>)
    %mul3A_165 = arith.constant 1024 : i32
    %mul3A_166 = arith.muli %sub3A_110, %mul3A_165 : i32
    %dma_wait3A_167 = arith.constant 0 : i32
    %dma_wait3A_168 = tpu.memref_slice %arg4[%mul3A_166, %dma_wait3A_167] : memref<819200x32xf32, #tpu.memory_space<hbm>> -> memref<1024x32xf32, #tpu.memory_space<hbm>>
    %dma_wait3A_169 = arith.constant 0 : i32
    %dma_wait3A_170 = tpu.memref_slice %arg4[%mul3A_166, %dma_wait3A_169] : memref<819200x32xf32, #tpu.memory_space<hbm>> -> memref<1024x32xf32, #tpu.memory_space<hbm>>
    tpu.wait_dma2 semaphore(%arg11 : memref<!tpu.dma_semaphore, #tpu.memory_space<semaphore_mem>>) src(%arg7 : memref<1024x32xf32, #tpu.memory_space<vmem>>) dst(%dma_wait3A_170 : memref<1024x32xf32, #tpu.memory_space<hbm>>)
    return
  }
}

#map = affine_map<(d0, d1) -> (0)>
#map1 = affine_map<(d0, d1) -> (0, 0, 0)>
module attributes {stable_mosaic.version = 14 : i64} {
  func.func @relayout_kernel(%arg0: i32, %arg1: i32, %arg2: memref<26214400xf32, #tpu.memory_space<hbm>>, %arg3: memref<50x32x16384xf32, #tpu.memory_space<hbm>>, %arg4: memref<8192xf32, #tpu.memory_space<vmem>>, %arg5: memref<8192xf32, #tpu.memory_space<vmem>>, %arg6: memref<32x261xf32, #tpu.memory_space<vmem>>, %arg7: memref<32x261xf32, #tpu.memory_space<vmem>>, %arg8: memref<!tpu.dma_semaphore, #tpu.memory_space<semaphore_mem>>, %arg9: memref<!tpu.dma_semaphore, #tpu.memory_space<semaphore_mem>>, %arg10: memref<!tpu.dma_semaphore, #tpu.memory_space<semaphore_mem>>, %arg11: memref<!tpu.dma_semaphore, #tpu.memory_space<semaphore_mem>>) attributes {dimension_semantics = [#tpu.dimension_semantics<core_parallel>, #tpu.dimension_semantics<subcore_parallel>], iteration_bounds = array<i64: 2, 16>, scalar_prefetch = 0 : i64, scratch_operands = 8 : i64, tpu.core_type = #tpu.core_type<sc_vector_subcore>, window_params = [{transform_indices = #map}, {transform_indices = #map1}]} {
    %mul3A = arith.constant 2 : i32
    %mul3A_0 = arith.muli %arg1, %mul3A : i32
    %add3A = arith.addi %mul3A_0, %arg0 : i32
    %mul3A_1 = arith.constant 100 : i32
    %mul3A_2 = arith.muli %add3A, %mul3A_1 : i32
    %jit3A = arith.constant 64 : i32
    %div3A = arith.divsi %mul3A_2, %jit3A : i32
    %sign3A = arith.constant 0 : i32
    %sign3A_3 = arith.cmpi sgt, %mul3A_2, %sign3A : i32
    %sign3A_4 = arith.extui %sign3A_3 : i1 to i32
    %sign3A_5 = arith.constant 0 : i32
    %sign3A_6 = arith.cmpi slt, %mul3A_2, %sign3A_5 : i32
    %sign3A_7 = arith.extui %sign3A_6 : i1 to i32
    %sign3A_8 = arith.subi %sign3A_4, %sign3A_7 : i32
    %sign3A_9 = arith.constant 0 : i32
    %sign3A_10 = arith.cmpi sgt, %jit3A, %sign3A_9 : i32
    %sign3A_11 = arith.extui %sign3A_10 : i1 to i32
    %sign3A_12 = arith.constant 0 : i32
    %sign3A_13 = arith.cmpi slt, %jit3A, %sign3A_12 : i32
    %sign3A_14 = arith.extui %sign3A_13 : i1 to i32
    %sign3A_15 = arith.subi %sign3A_11, %sign3A_14 : i32
    %ne3A = arith.cmpi ne, %sign3A_8, %sign3A_15 : i32
    %rem3A = arith.remsi %mul3A_2, %jit3A : i32
    %ne3A_16 = arith.constant 0 : i32
    %ne3A_17 = arith.cmpi ne, %rem3A, %ne3A_16 : i32
    %and3A = arith.andi %ne3A, %ne3A_17 : i1
    %sub3A = arith.constant 1 : i32
    %sub3A_18 = arith.subi %div3A, %sub3A : i32
    %select_n3A = arith.select %and3A, %sub3A_18, %div3A : i32
    %jit3A_19 = arith.constant 64 : i32
    %eq3A = arith.constant 0 : i32
    %eq3A_20 = arith.cmpi eq, %jit3A_19, %eq3A : i32
    %jit3A_21 = arith.constant 1 : i32
    %select_n3A_22 = arith.select %eq3A_20, %jit3A_21, %jit3A_19 : i32
    %rem3A_23 = arith.remsi %mul3A_2, %select_n3A_22 : i32
    %ne3A_24 = arith.constant 0 : i32
    %ne3A_25 = arith.cmpi ne, %rem3A_23, %ne3A_24 : i32
    %lt3A = arith.constant 0 : i32
    %lt3A_26 = arith.cmpi slt, %rem3A_23, %lt3A : i32
    %lt3A_27 = arith.constant 0 : i32
    %lt3A_28 = arith.cmpi slt, %select_n3A_22, %lt3A_27 : i32
    %ne3A_29 = arith.xori %lt3A_26, %lt3A_28 : i1
    %and3A_30 = arith.andi %ne3A_29, %ne3A_25 : i1
    %add3A_31 = arith.addi %rem3A_23, %select_n3A_22 : i32
    %select_n3A_32 = arith.select %and3A_30, %add3A_31, %rem3A_23 : i32
    %mul3A_33 = arith.constant 16384 : i32
    %mul3A_34 = arith.muli %select_n3A, %mul3A_33 : i32
    %mul3A_35 = arith.constant 256 : i32
    %mul3A_36 = arith.muli %select_n3A_32, %mul3A_35 : i32
    %add3A_37 = arith.addi %mul3A_34, %mul3A_36 : i32
    %mul3A_38 = arith.constant 32 : i32
    %mul3A_39 = arith.muli %add3A_37, %mul3A_38 : i32
    %dma_start3A = tpu.memref_slice %arg2[%mul3A_39] : memref<26214400xf32, #tpu.memory_space<hbm>> -> memref<8192xf32, #tpu.memory_space<hbm>>
    %dma_start3A_40 = tpu.memref_slice %arg2[%mul3A_39] : memref<26214400xf32, #tpu.memory_space<hbm>> -> memref<8192xf32, #tpu.memory_space<hbm>>
    tpu.enqueue_dma source(%dma_start3A_40 : memref<8192xf32, #tpu.memory_space<hbm>>) target(%arg4 : memref<8192xf32, #tpu.memory_space<vmem>>) target_semaphore(%arg8 : memref<!tpu.dma_semaphore, #tpu.memory_space<semaphore_mem>>)
    %add3A_41 = arith.constant 1 : i32
    %add3A_42 = arith.addi %mul3A_2, %add3A_41 : i32
    %jit3A_43 = arith.constant 64 : i32
    %div3A_44 = arith.divsi %add3A_42, %jit3A_43 : i32
    %sign3A_45 = arith.constant 0 : i32
    %sign3A_46 = arith.cmpi sgt, %add3A_42, %sign3A_45 : i32
    %sign3A_47 = arith.extui %sign3A_46 : i1 to i32
    %sign3A_48 = arith.constant 0 : i32
    %sign3A_49 = arith.cmpi slt, %add3A_42, %sign3A_48 : i32
    %sign3A_50 = arith.extui %sign3A_49 : i1 to i32
    %sign3A_51 = arith.subi %sign3A_47, %sign3A_50 : i32
    %sign3A_52 = arith.constant 0 : i32
    %sign3A_53 = arith.cmpi sgt, %jit3A_43, %sign3A_52 : i32
    %sign3A_54 = arith.extui %sign3A_53 : i1 to i32
    %sign3A_55 = arith.constant 0 : i32
    %sign3A_56 = arith.cmpi slt, %jit3A_43, %sign3A_55 : i32
    %sign3A_57 = arith.extui %sign3A_56 : i1 to i32
    %sign3A_58 = arith.subi %sign3A_54, %sign3A_57 : i32
    %ne3A_59 = arith.cmpi ne, %sign3A_51, %sign3A_58 : i32
    %rem3A_60 = arith.remsi %add3A_42, %jit3A_43 : i32
    %ne3A_61 = arith.constant 0 : i32
    %ne3A_62 = arith.cmpi ne, %rem3A_60, %ne3A_61 : i32
    %and3A_63 = arith.andi %ne3A_59, %ne3A_62 : i1
    %sub3A_64 = arith.constant 1 : i32
    %sub3A_65 = arith.subi %div3A_44, %sub3A_64 : i32
    %select_n3A_66 = arith.select %and3A_63, %sub3A_65, %div3A_44 : i32
    %jit3A_67 = arith.constant 64 : i32
    %eq3A_68 = arith.constant 0 : i32
    %eq3A_69 = arith.cmpi eq, %jit3A_67, %eq3A_68 : i32
    %jit3A_70 = arith.constant 1 : i32
    %select_n3A_71 = arith.select %eq3A_69, %jit3A_70, %jit3A_67 : i32
    %rem3A_72 = arith.remsi %add3A_42, %select_n3A_71 : i32
    %ne3A_73 = arith.constant 0 : i32
    %ne3A_74 = arith.cmpi ne, %rem3A_72, %ne3A_73 : i32
    %lt3A_75 = arith.constant 0 : i32
    %lt3A_76 = arith.cmpi slt, %rem3A_72, %lt3A_75 : i32
    %lt3A_77 = arith.constant 0 : i32
    %lt3A_78 = arith.cmpi slt, %select_n3A_71, %lt3A_77 : i32
    %ne3A_79 = arith.xori %lt3A_76, %lt3A_78 : i1
    %and3A_80 = arith.andi %ne3A_79, %ne3A_74 : i1
    %add3A_81 = arith.addi %rem3A_72, %select_n3A_71 : i32
    %select_n3A_82 = arith.select %and3A_80, %add3A_81, %rem3A_72 : i32
    %mul3A_83 = arith.constant 16384 : i32
    %mul3A_84 = arith.muli %select_n3A_66, %mul3A_83 : i32
    %mul3A_85 = arith.constant 256 : i32
    %mul3A_86 = arith.muli %select_n3A_82, %mul3A_85 : i32
    %add3A_87 = arith.addi %mul3A_84, %mul3A_86 : i32
    %mul3A_88 = arith.constant 32 : i32
    %mul3A_89 = arith.muli %add3A_87, %mul3A_88 : i32
    %dma_start3A_90 = tpu.memref_slice %arg2[%mul3A_89] : memref<26214400xf32, #tpu.memory_space<hbm>> -> memref<8192xf32, #tpu.memory_space<hbm>>
    %dma_start3A_91 = tpu.memref_slice %arg2[%mul3A_89] : memref<26214400xf32, #tpu.memory_space<hbm>> -> memref<8192xf32, #tpu.memory_space<hbm>>
    tpu.enqueue_dma source(%dma_start3A_91 : memref<8192xf32, #tpu.memory_space<hbm>>) target(%arg5 : memref<8192xf32, #tpu.memory_space<vmem>>) target_semaphore(%arg9 : memref<!tpu.dma_semaphore, #tpu.memory_space<semaphore_mem>>)
    %scan3A = arith.constant 0 : i32
    %scan3A_92 = arith.constant 50 : i32
    %scan3A_93 = arith.addi %scan3A, %scan3A_92 : i32
    %scan3A_94 = arith.constant 1 : i32
    scf.for %scan3A_211 = %scan3A to %scan3A_93 step %scan3A_94  : i32 {
      %mul3A_212 = arith.constant 1 : i32
      %mul3A_213 = arith.muli %scan3A_211, %mul3A_212 : i32
      %add3A_214 = arith.constant 0 : i32
      %add3A_215 = arith.addi %add3A_214, %mul3A_213 : i32
      %mul3A_216 = arith.constant 2 : i32
      %mul3A_217 = arith.muli %mul3A_216, %add3A_215 : i32
      %add3A_218 = arith.addi %mul3A_2, %mul3A_217 : i32
      %add3A_219 = arith.constant 1 : i32
      %add3A_220 = arith.addi %add3A_218, %add3A_219 : i32
      %jit3A_221 = arith.constant 64 : i32
      %div3A_222 = arith.divsi %add3A_218, %jit3A_221 : i32
      %sign3A_223 = arith.constant 0 : i32
      %sign3A_224 = arith.cmpi sgt, %add3A_218, %sign3A_223 : i32
      %sign3A_225 = arith.extui %sign3A_224 : i1 to i32
      %sign3A_226 = arith.constant 0 : i32
      %sign3A_227 = arith.cmpi slt, %add3A_218, %sign3A_226 : i32
      %sign3A_228 = arith.extui %sign3A_227 : i1 to i32
      %sign3A_229 = arith.subi %sign3A_225, %sign3A_228 : i32
      %sign3A_230 = arith.constant 0 : i32
      %sign3A_231 = arith.cmpi sgt, %jit3A_221, %sign3A_230 : i32
      %sign3A_232 = arith.extui %sign3A_231 : i1 to i32
      %sign3A_233 = arith.constant 0 : i32
      %sign3A_234 = arith.cmpi slt, %jit3A_221, %sign3A_233 : i32
      %sign3A_235 = arith.extui %sign3A_234 : i1 to i32
      %sign3A_236 = arith.subi %sign3A_232, %sign3A_235 : i32
      %ne3A_237 = arith.cmpi ne, %sign3A_229, %sign3A_236 : i32
      %rem3A_238 = arith.remsi %add3A_218, %jit3A_221 : i32
      %ne3A_239 = arith.constant 0 : i32
      %ne3A_240 = arith.cmpi ne, %rem3A_238, %ne3A_239 : i32
      %and3A_241 = arith.andi %ne3A_237, %ne3A_240 : i1
      %sub3A_242 = arith.constant 1 : i32
      %sub3A_243 = arith.subi %div3A_222, %sub3A_242 : i32
      %select_n3A_244 = arith.select %and3A_241, %sub3A_243, %div3A_222 : i32
      %jit3A_245 = arith.constant 64 : i32
      %eq3A_246 = arith.constant 0 : i32
      %eq3A_247 = arith.cmpi eq, %jit3A_245, %eq3A_246 : i32
      %jit3A_248 = arith.constant 1 : i32
      %select_n3A_249 = arith.select %eq3A_247, %jit3A_248, %jit3A_245 : i32
      %rem3A_250 = arith.remsi %add3A_218, %select_n3A_249 : i32
      %ne3A_251 = arith.constant 0 : i32
      %ne3A_252 = arith.cmpi ne, %rem3A_250, %ne3A_251 : i32
      %lt3A_253 = arith.constant 0 : i32
      %lt3A_254 = arith.cmpi slt, %rem3A_250, %lt3A_253 : i32
      %lt3A_255 = arith.constant 0 : i32
      %lt3A_256 = arith.cmpi slt, %select_n3A_249, %lt3A_255 : i32
      %ne3A_257 = arith.xori %lt3A_254, %lt3A_256 : i1
      %and3A_258 = arith.andi %ne3A_257, %ne3A_252 : i1
      %add3A_259 = arith.addi %rem3A_250, %select_n3A_249 : i32
      %select_n3A_260 = arith.select %and3A_258, %add3A_259, %rem3A_250 : i32
      %mul3A_261 = arith.constant 16384 : i32
      %mul3A_262 = arith.muli %select_n3A_244, %mul3A_261 : i32
      %mul3A_263 = arith.constant 256 : i32
      %mul3A_264 = arith.muli %select_n3A_260, %mul3A_263 : i32
      %add3A_265 = arith.addi %mul3A_262, %mul3A_264 : i32
      %mul3A_266 = arith.constant 32 : i32
      %mul3A_267 = arith.muli %add3A_265, %mul3A_266 : i32
      %dma_wait3A_268 = tpu.memref_slice %arg2[%mul3A_267] : memref<26214400xf32, #tpu.memory_space<hbm>> -> memref<8192xf32, #tpu.memory_space<hbm>>
      %dma_wait3A_269 = tpu.memref_slice %arg2[%mul3A_267] : memref<26214400xf32, #tpu.memory_space<hbm>> -> memref<8192xf32, #tpu.memory_space<hbm>>
      tpu.wait_dma2 semaphore(%arg8 : memref<!tpu.dma_semaphore, #tpu.memory_space<semaphore_mem>>) src(%dma_wait3A_269 : memref<8192xf32, #tpu.memory_space<hbm>>) dst(%arg4 : memref<8192xf32, #tpu.memory_space<vmem>>)
      %gt3A = arith.constant 0 : i32
      %gt3A_270 = arith.cmpi sgt, %add3A_215, %gt3A : i32
      %convert_element_type3A = arith.extui %gt3A_270 : i1 to i32
      %cond3A = arith.constant 0 : i32
      %cond3A_271 = arith.cmpi ne, %convert_element_type3A, %cond3A : i32
      scf.if %cond3A_271 {
        %sub3A_468 = arith.constant 2 : i32
        %sub3A_469 = arith.subi %add3A_218, %sub3A_468 : i32
        %jit3A_470 = arith.constant 64 : i32
        %div3A_471 = arith.divsi %sub3A_469, %jit3A_470 : i32
        %sign3A_472 = arith.constant 0 : i32
        %sign3A_473 = arith.cmpi sgt, %sub3A_469, %sign3A_472 : i32
        %sign3A_474 = arith.extui %sign3A_473 : i1 to i32
        %sign3A_475 = arith.constant 0 : i32
        %sign3A_476 = arith.cmpi slt, %sub3A_469, %sign3A_475 : i32
        %sign3A_477 = arith.extui %sign3A_476 : i1 to i32
        %sign3A_478 = arith.subi %sign3A_474, %sign3A_477 : i32
        %sign3A_479 = arith.constant 0 : i32
        %sign3A_480 = arith.cmpi sgt, %jit3A_470, %sign3A_479 : i32
        %sign3A_481 = arith.extui %sign3A_480 : i1 to i32
        %sign3A_482 = arith.constant 0 : i32
        %sign3A_483 = arith.cmpi slt, %jit3A_470, %sign3A_482 : i32
        %sign3A_484 = arith.extui %sign3A_483 : i1 to i32
        %sign3A_485 = arith.subi %sign3A_481, %sign3A_484 : i32
        %ne3A_486 = arith.cmpi ne, %sign3A_478, %sign3A_485 : i32
        %rem3A_487 = arith.remsi %sub3A_469, %jit3A_470 : i32
        %ne3A_488 = arith.constant 0 : i32
        %ne3A_489 = arith.cmpi ne, %rem3A_487, %ne3A_488 : i32
        %and3A_490 = arith.andi %ne3A_486, %ne3A_489 : i1
        %sub3A_491 = arith.constant 1 : i32
        %sub3A_492 = arith.subi %div3A_471, %sub3A_491 : i32
        %select_n3A_493 = arith.select %and3A_490, %sub3A_492, %div3A_471 : i32
        %jit3A_494 = arith.constant 64 : i32
        %eq3A_495 = arith.constant 0 : i32
        %eq3A_496 = arith.cmpi eq, %jit3A_494, %eq3A_495 : i32
        %jit3A_497 = arith.constant 1 : i32
        %select_n3A_498 = arith.select %eq3A_496, %jit3A_497, %jit3A_494 : i32
        %rem3A_499 = arith.remsi %sub3A_469, %select_n3A_498 : i32
        %ne3A_500 = arith.constant 0 : i32
        %ne3A_501 = arith.cmpi ne, %rem3A_499, %ne3A_500 : i32
        %lt3A_502 = arith.constant 0 : i32
        %lt3A_503 = arith.cmpi slt, %rem3A_499, %lt3A_502 : i32
        %lt3A_504 = arith.constant 0 : i32
        %lt3A_505 = arith.cmpi slt, %select_n3A_498, %lt3A_504 : i32
        %ne3A_506 = arith.xori %lt3A_503, %lt3A_505 : i1
        %and3A_507 = arith.andi %ne3A_506, %ne3A_501 : i1
        %add3A_508 = arith.addi %rem3A_499, %select_n3A_498 : i32
        %select_n3A_509 = arith.select %and3A_507, %add3A_508, %rem3A_499 : i32
        %mul3A_510 = arith.constant 256 : i32
        %mul3A_511 = arith.muli %select_n3A_509, %mul3A_510 : i32
        %dma_wait3A_512 = arith.constant 0 : i32
        %dma_wait3A_513 = arith.constant 0 : i32
        %dma_wait3A_514 = tpu.memref_slice %arg6[%dma_wait3A_512, %dma_wait3A_513] : memref<32x261xf32, #tpu.memory_space<vmem>> -> memref<32x256xf32, #tpu.memory_space<vmem>>
        %dma_wait3A_515 = arith.constant 0 : i32
        %dma_wait3A_516 = tpu.memref_slice %arg3[%select_n3A_493, %dma_wait3A_515, %mul3A_511] : memref<50x32x16384xf32, #tpu.memory_space<hbm>> -> memref<1x32x256xf32, #tpu.memory_space<hbm>>
        %dma_wait3A_517 = tpu.memref_squeeze %dma_wait3A_516 : memref<1x32x256xf32, #tpu.memory_space<hbm>> -> memref<32x256xf32, #tpu.memory_space<hbm>>
        %dma_wait3A_518 = arith.constant 0 : i32
        %dma_wait3A_519 = tpu.memref_slice %arg3[%select_n3A_493, %dma_wait3A_518, %mul3A_511] : memref<50x32x16384xf32, #tpu.memory_space<hbm>> -> memref<1x32x256xf32, #tpu.memory_space<hbm>>
        %dma_wait3A_520 = tpu.memref_squeeze %dma_wait3A_519 : memref<1x32x256xf32, #tpu.memory_space<hbm>> -> memref<32x256xf32, #tpu.memory_space<hbm>>
        %dma_wait3A_521 = arith.constant 0 : i32
        %dma_wait3A_522 = arith.constant 0 : i32
        %dma_wait3A_523 = tpu.memref_slice %arg6[%dma_wait3A_521, %dma_wait3A_522] : memref<32x261xf32, #tpu.memory_space<vmem>> -> memref<32x256xf32, #tpu.memory_space<vmem>>
        tpu.wait_dma2 semaphore(%arg10 : memref<!tpu.dma_semaphore, #tpu.memory_space<semaphore_mem>>) src(%dma_wait3A_523 : memref<32x256xf32, #tpu.memory_space<vmem>>) dst(%dma_wait3A_520 : memref<32x256xf32, #tpu.memory_space<hbm>>)
      } else {
      }
      %iota3A = tpu.iota {dimensions = array<i32: 0>} : vector<16xi32>
      %mul3A_272 = arith.constant 0 : i32
      %mul3A_273 = vector.broadcast %mul3A_272 : i32 to vector<16xi32>
      %mul3A_274 = arith.muli %iota3A, %mul3A_273 : vector<16xi32>
      %add3A_275 = arith.constant 0 : i32
      %add3A_276 = vector.broadcast %add3A_275 : i32 to vector<16xi32>
      %add3A_277 = arith.addi %iota3A, %add3A_276 : vector<16xi32>
      %add3A_278 = arith.constant 16 : i32
      %add3A_279 = vector.broadcast %add3A_278 : i32 to vector<16xi32>
      %add3A_280 = arith.addi %iota3A, %add3A_279 : vector<16xi32>
      %parallel_loop3A = arith.constant 0 : i32
      %parallel_loop3A_281 = arith.constant 256 : i32
      %parallel_loop3A_282 = arith.constant 1 : i32
      scf.for %parallel_loop3A_468 = %parallel_loop3A to %parallel_loop3A_281 step %parallel_loop3A_282  : i32 {
        %parallel_loop3A_469 = vector.broadcast %parallel_loop3A_468 : i32 to vector<16xi32>
        %parallel_loop3A_470 = arith.addi %mul3A_274, %parallel_loop3A_469 : vector<16xi32>
        %parallel_loop3A_471 = arith.constant 32 : i32
        %parallel_loop3A_472 = arith.muli %parallel_loop3A_468, %parallel_loop3A_471 : i32
        %parallel_loop3A_473 = arith.constant 0 : i32
        %parallel_loop3A_474 = arith.addi %parallel_loop3A_472, %parallel_loop3A_473 : i32
        %parallel_loop3A_475 = arith.index_cast %parallel_loop3A_474 : i32 to index
        %parallel_loop3A_476 = tpu.vector_load %arg4[%parallel_loop3A_475] {strides = array<i32>} : memref<8192xf32, #tpu.memory_space<vmem>>, vector<16xf32>,
        tpu.vector_store_idx %arg6[%add3A_277, %parallel_loop3A_470], %parallel_loop3A_476 : memref<32x261xf32, #tpu.memory_space<vmem>>[vector<16xi32>, vector<16xi32>], vector<16xf32>,
        %parallel_loop3A_477 = arith.constant 32 : i32
        %parallel_loop3A_478 = arith.muli %parallel_loop3A_468, %parallel_loop3A_477 : i32
        %parallel_loop3A_479 = arith.constant 16 : i32
        %parallel_loop3A_480 = arith.addi %parallel_loop3A_478, %parallel_loop3A_479 : i32
        %parallel_loop3A_481 = arith.index_cast %parallel_loop3A_480 : i32 to index
        %parallel_loop3A_482 = tpu.vector_load %arg4[%parallel_loop3A_481] {strides = array<i32>} : memref<8192xf32, #tpu.memory_space<vmem>>, vector<16xf32>,
        tpu.vector_store_idx %arg6[%add3A_280, %parallel_loop3A_470], %parallel_loop3A_482 : memref<32x261xf32, #tpu.memory_space<vmem>>[vector<16xi32>, vector<16xi32>], vector<16xf32>,
      } {sc.loop_unroll_factor = 16 : i64, sc.parallel_access}
      %jit3A_283 = arith.constant 64 : i32
      %div3A_284 = arith.divsi %add3A_218, %jit3A_283 : i32
      %sign3A_285 = arith.constant 0 : i32
      %sign3A_286 = arith.cmpi sgt, %add3A_218, %sign3A_285 : i32
      %sign3A_287 = arith.extui %sign3A_286 : i1 to i32
      %sign3A_288 = arith.constant 0 : i32
      %sign3A_289 = arith.cmpi slt, %add3A_218, %sign3A_288 : i32
      %sign3A_290 = arith.extui %sign3A_289 : i1 to i32
      %sign3A_291 = arith.subi %sign3A_287, %sign3A_290 : i32
      %sign3A_292 = arith.constant 0 : i32
      %sign3A_293 = arith.cmpi sgt, %jit3A_283, %sign3A_292 : i32
      %sign3A_294 = arith.extui %sign3A_293 : i1 to i32
      %sign3A_295 = arith.constant 0 : i32
      %sign3A_296 = arith.cmpi slt, %jit3A_283, %sign3A_295 : i32
      %sign3A_297 = arith.extui %sign3A_296 : i1 to i32
      %sign3A_298 = arith.subi %sign3A_294, %sign3A_297 : i32
      %ne3A_299 = arith.cmpi ne, %sign3A_291, %sign3A_298 : i32
      %rem3A_300 = arith.remsi %add3A_218, %jit3A_283 : i32
      %ne3A_301 = arith.constant 0 : i32
      %ne3A_302 = arith.cmpi ne, %rem3A_300, %ne3A_301 : i32
      %and3A_303 = arith.andi %ne3A_299, %ne3A_302 : i1
      %sub3A_304 = arith.constant 1 : i32
      %sub3A_305 = arith.subi %div3A_284, %sub3A_304 : i32
      %select_n3A_306 = arith.select %and3A_303, %sub3A_305, %div3A_284 : i32
      %jit3A_307 = arith.constant 64 : i32
      %eq3A_308 = arith.constant 0 : i32
      %eq3A_309 = arith.cmpi eq, %jit3A_307, %eq3A_308 : i32
      %jit3A_310 = arith.constant 1 : i32
      %select_n3A_311 = arith.select %eq3A_309, %jit3A_310, %jit3A_307 : i32
      %rem3A_312 = arith.remsi %add3A_218, %select_n3A_311 : i32
      %ne3A_313 = arith.constant 0 : i32
      %ne3A_314 = arith.cmpi ne, %rem3A_312, %ne3A_313 : i32
      %lt3A_315 = arith.constant 0 : i32
      %lt3A_316 = arith.cmpi slt, %rem3A_312, %lt3A_315 : i32
      %lt3A_317 = arith.constant 0 : i32
      %lt3A_318 = arith.cmpi slt, %select_n3A_311, %lt3A_317 : i32
      %ne3A_319 = arith.xori %lt3A_316, %lt3A_318 : i1
      %and3A_320 = arith.andi %ne3A_319, %ne3A_314 : i1
      %add3A_321 = arith.addi %rem3A_312, %select_n3A_311 : i32
      %select_n3A_322 = arith.select %and3A_320, %add3A_321, %rem3A_312 : i32
      %mul3A_323 = arith.constant 256 : i32
      %mul3A_324 = arith.muli %select_n3A_322, %mul3A_323 : i32
      %dma_start3A_325 = arith.constant 0 : i32
      %dma_start3A_326 = arith.constant 0 : i32
      %dma_start3A_327 = tpu.memref_slice %arg6[%dma_start3A_325, %dma_start3A_326] : memref<32x261xf32, #tpu.memory_space<vmem>> -> memref<32x256xf32, #tpu.memory_space<vmem>>
      %dma_start3A_328 = arith.constant 0 : i32
      %dma_start3A_329 = tpu.memref_slice %arg3[%select_n3A_306, %dma_start3A_328, %mul3A_324] : memref<50x32x16384xf32, #tpu.memory_space<hbm>> -> memref<1x32x256xf32, #tpu.memory_space<hbm>>
      %dma_start3A_330 = tpu.memref_squeeze %dma_start3A_329 : memref<1x32x256xf32, #tpu.memory_space<hbm>> -> memref<32x256xf32, #tpu.memory_space<hbm>>
      %dma_start3A_331 = arith.constant 0 : i32
      %dma_start3A_332 = tpu.memref_slice %arg3[%select_n3A_306, %dma_start3A_331, %mul3A_324] : memref<50x32x16384xf32, #tpu.memory_space<hbm>> -> memref<1x32x256xf32, #tpu.memory_space<hbm>>
      %dma_start3A_333 = tpu.memref_squeeze %dma_start3A_332 : memref<1x32x256xf32, #tpu.memory_space<hbm>> -> memref<32x256xf32, #tpu.memory_space<hbm>>
      %dma_start3A_334 = arith.constant 0 : i32
      %dma_start3A_335 = arith.constant 0 : i32
      %dma_start3A_336 = tpu.memref_slice %arg6[%dma_start3A_334, %dma_start3A_335] : memref<32x261xf32, #tpu.memory_space<vmem>> -> memref<32x256xf32, #tpu.memory_space<vmem>>
      tpu.enqueue_dma source(%dma_start3A_336 : memref<32x256xf32, #tpu.memory_space<vmem>>) target(%dma_start3A_333 : memref<32x256xf32, #tpu.memory_space<hbm>>) target_semaphore(%arg10 : memref<!tpu.dma_semaphore, #tpu.memory_space<semaphore_mem>>)
      %lt3A_337 = arith.constant 49 : i32
      %lt3A_338 = arith.cmpi slt, %add3A_215, %lt3A_337 : i32
      %convert_element_type3A_339 = arith.extui %lt3A_338 : i1 to i32
      %cond3A_340 = arith.constant 0 : i32
      %cond3A_341 = arith.cmpi ne, %convert_element_type3A_339, %cond3A_340 : i32
      scf.if %cond3A_341 {
        %add3A_468 = arith.constant 2 : i32
        %add3A_469 = arith.addi %add3A_218, %add3A_468 : i32
        %jit3A_470 = arith.constant 64 : i32
        %div3A_471 = arith.divsi %add3A_469, %jit3A_470 : i32
        %sign3A_472 = arith.constant 0 : i32
        %sign3A_473 = arith.cmpi sgt, %add3A_469, %sign3A_472 : i32
        %sign3A_474 = arith.extui %sign3A_473 : i1 to i32
        %sign3A_475 = arith.constant 0 : i32
        %sign3A_476 = arith.cmpi slt, %add3A_469, %sign3A_475 : i32
        %sign3A_477 = arith.extui %sign3A_476 : i1 to i32
        %sign3A_478 = arith.subi %sign3A_474, %sign3A_477 : i32
        %sign3A_479 = arith.constant 0 : i32
        %sign3A_480 = arith.cmpi sgt, %jit3A_470, %sign3A_479 : i32
        %sign3A_481 = arith.extui %sign3A_480 : i1 to i32
        %sign3A_482 = arith.constant 0 : i32
        %sign3A_483 = arith.cmpi slt, %jit3A_470, %sign3A_482 : i32
        %sign3A_484 = arith.extui %sign3A_483 : i1 to i32
        %sign3A_485 = arith.subi %sign3A_481, %sign3A_484 : i32
        %ne3A_486 = arith.cmpi ne, %sign3A_478, %sign3A_485 : i32
        %rem3A_487 = arith.remsi %add3A_469, %jit3A_470 : i32
        %ne3A_488 = arith.constant 0 : i32
        %ne3A_489 = arith.cmpi ne, %rem3A_487, %ne3A_488 : i32
        %and3A_490 = arith.andi %ne3A_486, %ne3A_489 : i1
        %sub3A_491 = arith.constant 1 : i32
        %sub3A_492 = arith.subi %div3A_471, %sub3A_491 : i32
        %select_n3A_493 = arith.select %and3A_490, %sub3A_492, %div3A_471 : i32
        %jit3A_494 = arith.constant 64 : i32
        %eq3A_495 = arith.constant 0 : i32
        %eq3A_496 = arith.cmpi eq, %jit3A_494, %eq3A_495 : i32
        %jit3A_497 = arith.constant 1 : i32
        %select_n3A_498 = arith.select %eq3A_496, %jit3A_497, %jit3A_494 : i32
        %rem3A_499 = arith.remsi %add3A_469, %select_n3A_498 : i32
        %ne3A_500 = arith.constant 0 : i32
        %ne3A_501 = arith.cmpi ne, %rem3A_499, %ne3A_500 : i32
        %lt3A_502 = arith.constant 0 : i32
        %lt3A_503 = arith.cmpi slt, %rem3A_499, %lt3A_502 : i32
        %lt3A_504 = arith.constant 0 : i32
        %lt3A_505 = arith.cmpi slt, %select_n3A_498, %lt3A_504 : i32
        %ne3A_506 = arith.xori %lt3A_503, %lt3A_505 : i1
        %and3A_507 = arith.andi %ne3A_506, %ne3A_501 : i1
        %add3A_508 = arith.addi %rem3A_499, %select_n3A_498 : i32
        %select_n3A_509 = arith.select %and3A_507, %add3A_508, %rem3A_499 : i32
        %mul3A_510 = arith.constant 16384 : i32
        %mul3A_511 = arith.muli %select_n3A_493, %mul3A_510 : i32
        %mul3A_512 = arith.constant 256 : i32
        %mul3A_513 = arith.muli %select_n3A_509, %mul3A_512 : i32
        %add3A_514 = arith.addi %mul3A_511, %mul3A_513 : i32
        %mul3A_515 = arith.constant 32 : i32
        %mul3A_516 = arith.muli %add3A_514, %mul3A_515 : i32
        %dma_start3A_517 = tpu.memref_slice %arg2[%mul3A_516] : memref<26214400xf32, #tpu.memory_space<hbm>> -> memref<8192xf32, #tpu.memory_space<hbm>>
        %dma_start3A_518 = tpu.memref_slice %arg2[%mul3A_516] : memref<26214400xf32, #tpu.memory_space<hbm>> -> memref<8192xf32, #tpu.memory_space<hbm>>
        tpu.enqueue_dma source(%dma_start3A_518 : memref<8192xf32, #tpu.memory_space<hbm>>) target(%arg4 : memref<8192xf32, #tpu.memory_space<vmem>>) target_semaphore(%arg8 : memref<!tpu.dma_semaphore, #tpu.memory_space<semaphore_mem>>)
      } else {
      }
      %jit3A_342 = arith.constant 64 : i32
      %div3A_343 = arith.divsi %add3A_220, %jit3A_342 : i32
      %sign3A_344 = arith.constant 0 : i32
      %sign3A_345 = arith.cmpi sgt, %add3A_220, %sign3A_344 : i32
      %sign3A_346 = arith.extui %sign3A_345 : i1 to i32
      %sign3A_347 = arith.constant 0 : i32
      %sign3A_348 = arith.cmpi slt, %add3A_220, %sign3A_347 : i32
      %sign3A_349 = arith.extui %sign3A_348 : i1 to i32
      %sign3A_350 = arith.subi %sign3A_346, %sign3A_349 : i32
      %sign3A_351 = arith.constant 0 : i32
      %sign3A_352 = arith.cmpi sgt, %jit3A_342, %sign3A_351 : i32
      %sign3A_353 = arith.extui %sign3A_352 : i1 to i32
      %sign3A_354 = arith.constant 0 : i32
      %sign3A_355 = arith.cmpi slt, %jit3A_342, %sign3A_354 : i32
      %sign3A_356 = arith.extui %sign3A_355 : i1 to i32
      %sign3A_357 = arith.subi %sign3A_353, %sign3A_356 : i32
      %ne3A_358 = arith.cmpi ne, %sign3A_350, %sign3A_357 : i32
      %rem3A_359 = arith.remsi %add3A_220, %jit3A_342 : i32
      %ne3A_360 = arith.constant 0 : i32
      %ne3A_361 = arith.cmpi ne, %rem3A_359, %ne3A_360 : i32
      %and3A_362 = arith.andi %ne3A_358, %ne3A_361 : i1
      %sub3A_363 = arith.constant 1 : i32
      %sub3A_364 = arith.subi %div3A_343, %sub3A_363 : i32
      %select_n3A_365 = arith.select %and3A_362, %sub3A_364, %div3A_343 : i32
      %jit3A_366 = arith.constant 64 : i32
      %eq3A_367 = arith.constant 0 : i32
      %eq3A_368 = arith.cmpi eq, %jit3A_366, %eq3A_367 : i32
      %jit3A_369 = arith.constant 1 : i32
      %select_n3A_370 = arith.select %eq3A_368, %jit3A_369, %jit3A_366 : i32
      %rem3A_371 = arith.remsi %add3A_220, %select_n3A_370 : i32
      %ne3A_372 = arith.constant 0 : i32
      %ne3A_373 = arith.cmpi ne, %rem3A_371, %ne3A_372 : i32
      %lt3A_374 = arith.constant 0 : i32
      %lt3A_375 = arith.cmpi slt, %rem3A_371, %lt3A_374 : i32
      %lt3A_376 = arith.constant 0 : i32
      %lt3A_377 = arith.cmpi slt, %select_n3A_370, %lt3A_376 : i32
      %ne3A_378 = arith.xori %lt3A_375, %lt3A_377 : i1
      %and3A_379 = arith.andi %ne3A_378, %ne3A_373 : i1
      %add3A_380 = arith.addi %rem3A_371, %select_n3A_370 : i32
      %select_n3A_381 = arith.select %and3A_379, %add3A_380, %rem3A_371 : i32
      %mul3A_382 = arith.constant 16384 : i32
      %mul3A_383 = arith.muli %select_n3A_365, %mul3A_382 : i32
      %mul3A_384 = arith.constant 256 : i32
      %mul3A_385 = arith.muli %select_n3A_381, %mul3A_384 : i32
      %add3A_386 = arith.addi %mul3A_383, %mul3A_385 : i32
      %mul3A_387 = arith.constant 32 : i32
      %mul3A_388 = arith.muli %add3A_386, %mul3A_387 : i32
      %dma_wait3A_389 = tpu.memref_slice %arg2[%mul3A_388] : memref<26214400xf32, #tpu.memory_space<hbm>> -> memref<8192xf32, #tpu.memory_space<hbm>>
      %dma_wait3A_390 = tpu.memref_slice %arg2[%mul3A_388] : memref<26214400xf32, #tpu.memory_space<hbm>> -> memref<8192xf32, #tpu.memory_space<hbm>>
      tpu.wait_dma2 semaphore(%arg9 : memref<!tpu.dma_semaphore, #tpu.memory_space<semaphore_mem>>) src(%dma_wait3A_390 : memref<8192xf32, #tpu.memory_space<hbm>>) dst(%arg5 : memref<8192xf32, #tpu.memory_space<vmem>>)
      %gt3A_391 = arith.constant 0 : i32
      %gt3A_392 = arith.cmpi sgt, %add3A_215, %gt3A_391 : i32
      %convert_element_type3A_393 = arith.extui %gt3A_392 : i1 to i32
      %cond3A_394 = arith.constant 0 : i32
      %cond3A_395 = arith.cmpi ne, %convert_element_type3A_393, %cond3A_394 : i32
      scf.if %cond3A_395 {
        %sub3A_468 = arith.constant 2 : i32
        %sub3A_469 = arith.subi %add3A_220, %sub3A_468 : i32
        %jit3A_470 = arith.constant 64 : i32
        %div3A_471 = arith.divsi %sub3A_469, %jit3A_470 : i32
        %sign3A_472 = arith.constant 0 : i32
        %sign3A_473 = arith.cmpi sgt, %sub3A_469, %sign3A_472 : i32
        %sign3A_474 = arith.extui %sign3A_473 : i1 to i32
        %sign3A_475 = arith.constant 0 : i32
        %sign3A_476 = arith.cmpi slt, %sub3A_469, %sign3A_475 : i32
        %sign3A_477 = arith.extui %sign3A_476 : i1 to i32
        %sign3A_478 = arith.subi %sign3A_474, %sign3A_477 : i32
        %sign3A_479 = arith.constant 0 : i32
        %sign3A_480 = arith.cmpi sgt, %jit3A_470, %sign3A_479 : i32
        %sign3A_481 = arith.extui %sign3A_480 : i1 to i32
        %sign3A_482 = arith.constant 0 : i32
        %sign3A_483 = arith.cmpi slt, %jit3A_470, %sign3A_482 : i32
        %sign3A_484 = arith.extui %sign3A_483 : i1 to i32
        %sign3A_485 = arith.subi %sign3A_481, %sign3A_484 : i32
        %ne3A_486 = arith.cmpi ne, %sign3A_478, %sign3A_485 : i32
        %rem3A_487 = arith.remsi %sub3A_469, %jit3A_470 : i32
        %ne3A_488 = arith.constant 0 : i32
        %ne3A_489 = arith.cmpi ne, %rem3A_487, %ne3A_488 : i32
        %and3A_490 = arith.andi %ne3A_486, %ne3A_489 : i1
        %sub3A_491 = arith.constant 1 : i32
        %sub3A_492 = arith.subi %div3A_471, %sub3A_491 : i32
        %select_n3A_493 = arith.select %and3A_490, %sub3A_492, %div3A_471 : i32
        %jit3A_494 = arith.constant 64 : i32
        %eq3A_495 = arith.constant 0 : i32
        %eq3A_496 = arith.cmpi eq, %jit3A_494, %eq3A_495 : i32
        %jit3A_497 = arith.constant 1 : i32
        %select_n3A_498 = arith.select %eq3A_496, %jit3A_497, %jit3A_494 : i32
        %rem3A_499 = arith.remsi %sub3A_469, %select_n3A_498 : i32
        %ne3A_500 = arith.constant 0 : i32
        %ne3A_501 = arith.cmpi ne, %rem3A_499, %ne3A_500 : i32
        %lt3A_502 = arith.constant 0 : i32
        %lt3A_503 = arith.cmpi slt, %rem3A_499, %lt3A_502 : i32
        %lt3A_504 = arith.constant 0 : i32
        %lt3A_505 = arith.cmpi slt, %select_n3A_498, %lt3A_504 : i32
        %ne3A_506 = arith.xori %lt3A_503, %lt3A_505 : i1
        %and3A_507 = arith.andi %ne3A_506, %ne3A_501 : i1
        %add3A_508 = arith.addi %rem3A_499, %select_n3A_498 : i32
        %select_n3A_509 = arith.select %and3A_507, %add3A_508, %rem3A_499 : i32
        %mul3A_510 = arith.constant 256 : i32
        %mul3A_511 = arith.muli %select_n3A_509, %mul3A_510 : i32
        %dma_wait3A_512 = arith.constant 0 : i32
        %dma_wait3A_513 = arith.constant 0 : i32
        %dma_wait3A_514 = tpu.memref_slice %arg7[%dma_wait3A_512, %dma_wait3A_513] : memref<32x261xf32, #tpu.memory_space<vmem>> -> memref<32x256xf32, #tpu.memory_space<vmem>>
        %dma_wait3A_515 = arith.constant 0 : i32
        %dma_wait3A_516 = tpu.memref_slice %arg3[%select_n3A_493, %dma_wait3A_515, %mul3A_511] : memref<50x32x16384xf32, #tpu.memory_space<hbm>> -> memref<1x32x256xf32, #tpu.memory_space<hbm>>
        %dma_wait3A_517 = tpu.memref_squeeze %dma_wait3A_516 : memref<1x32x256xf32, #tpu.memory_space<hbm>> -> memref<32x256xf32, #tpu.memory_space<hbm>>
        %dma_wait3A_518 = arith.constant 0 : i32
        %dma_wait3A_519 = tpu.memref_slice %arg3[%select_n3A_493, %dma_wait3A_518, %mul3A_511] : memref<50x32x16384xf32, #tpu.memory_space<hbm>> -> memref<1x32x256xf32, #tpu.memory_space<hbm>>
        %dma_wait3A_520 = tpu.memref_squeeze %dma_wait3A_519 : memref<1x32x256xf32, #tpu.memory_space<hbm>> -> memref<32x256xf32, #tpu.memory_space<hbm>>
        %dma_wait3A_521 = arith.constant 0 : i32
        %dma_wait3A_522 = arith.constant 0 : i32
        %dma_wait3A_523 = tpu.memref_slice %arg7[%dma_wait3A_521, %dma_wait3A_522] : memref<32x261xf32, #tpu.memory_space<vmem>> -> memref<32x256xf32, #tpu.memory_space<vmem>>
        tpu.wait_dma2 semaphore(%arg11 : memref<!tpu.dma_semaphore, #tpu.memory_space<semaphore_mem>>) src(%dma_wait3A_523 : memref<32x256xf32, #tpu.memory_space<vmem>>) dst(%dma_wait3A_520 : memref<32x256xf32, #tpu.memory_space<hbm>>)
      } else {
      }
      %iota3A_396 = tpu.iota {dimensions = array<i32: 0>} : vector<16xi32>
      %mul3A_397 = arith.constant 0 : i32
      %mul3A_398 = vector.broadcast %mul3A_397 : i32 to vector<16xi32>
      %mul3A_399 = arith.muli %iota3A_396, %mul3A_398 : vector<16xi32>
      %add3A_400 = arith.constant 0 : i32
      %add3A_401 = vector.broadcast %add3A_400 : i32 to vector<16xi32>
      %add3A_402 = arith.addi %iota3A_396, %add3A_401 : vector<16xi32>
      %add3A_403 = arith.constant 16 : i32
      %add3A_404 = vector.broadcast %add3A_403 : i32 to vector<16xi32>
      %add3A_405 = arith.addi %iota3A_396, %add3A_404 : vector<16xi32>
      %parallel_loop3A_406 = arith.constant 0 : i32
      %parallel_loop3A_407 = arith.constant 256 : i32
      %parallel_loop3A_408 = arith.constant 1 : i32
      scf.for %parallel_loop3A_468 = %parallel_loop3A_406 to %parallel_loop3A_407 step %parallel_loop3A_408  : i32 {
        %parallel_loop3A_469 = vector.broadcast %parallel_loop3A_468 : i32 to vector<16xi32>
        %parallel_loop3A_470 = arith.addi %mul3A_399, %parallel_loop3A_469 : vector<16xi32>
        %parallel_loop3A_471 = arith.constant 32 : i32
        %parallel_loop3A_472 = arith.muli %parallel_loop3A_468, %parallel_loop3A_471 : i32
        %parallel_loop3A_473 = arith.constant 0 : i32
        %parallel_loop3A_474 = arith.addi %parallel_loop3A_472, %parallel_loop3A_473 : i32
        %parallel_loop3A_475 = arith.index_cast %parallel_loop3A_474 : i32 to index
        %parallel_loop3A_476 = tpu.vector_load %arg5[%parallel_loop3A_475] {strides = array<i32>} : memref<8192xf32, #tpu.memory_space<vmem>>, vector<16xf32>,
        tpu.vector_store_idx %arg7[%add3A_402, %parallel_loop3A_470], %parallel_loop3A_476 : memref<32x261xf32, #tpu.memory_space<vmem>>[vector<16xi32>, vector<16xi32>], vector<16xf32>,
        %parallel_loop3A_477 = arith.constant 32 : i32
        %parallel_loop3A_478 = arith.muli %parallel_loop3A_468, %parallel_loop3A_477 : i32
        %parallel_loop3A_479 = arith.constant 16 : i32
        %parallel_loop3A_480 = arith.addi %parallel_loop3A_478, %parallel_loop3A_479 : i32
        %parallel_loop3A_481 = arith.index_cast %parallel_loop3A_480 : i32 to index
        %parallel_loop3A_482 = tpu.vector_load %arg5[%parallel_loop3A_481] {strides = array<i32>} : memref<8192xf32, #tpu.memory_space<vmem>>, vector<16xf32>,
        tpu.vector_store_idx %arg7[%add3A_405, %parallel_loop3A_470], %parallel_loop3A_482 : memref<32x261xf32, #tpu.memory_space<vmem>>[vector<16xi32>, vector<16xi32>], vector<16xf32>,
      } {sc.loop_unroll_factor = 16 : i64, sc.parallel_access}
      %jit3A_409 = arith.constant 64 : i32
      %div3A_410 = arith.divsi %add3A_220, %jit3A_409 : i32
      %sign3A_411 = arith.constant 0 : i32
      %sign3A_412 = arith.cmpi sgt, %add3A_220, %sign3A_411 : i32
      %sign3A_413 = arith.extui %sign3A_412 : i1 to i32
      %sign3A_414 = arith.constant 0 : i32
      %sign3A_415 = arith.cmpi slt, %add3A_220, %sign3A_414 : i32
      %sign3A_416 = arith.extui %sign3A_415 : i1 to i32
      %sign3A_417 = arith.subi %sign3A_413, %sign3A_416 : i32
      %sign3A_418 = arith.constant 0 : i32
      %sign3A_419 = arith.cmpi sgt, %jit3A_409, %sign3A_418 : i32
      %sign3A_420 = arith.extui %sign3A_419 : i1 to i32
      %sign3A_421 = arith.constant 0 : i32
      %sign3A_422 = arith.cmpi slt, %jit3A_409, %sign3A_421 : i32
      %sign3A_423 = arith.extui %sign3A_422 : i1 to i32
      %sign3A_424 = arith.subi %sign3A_420, %sign3A_423 : i32
      %ne3A_425 = arith.cmpi ne, %sign3A_417, %sign3A_424 : i32
      %rem3A_426 = arith.remsi %add3A_220, %jit3A_409 : i32
      %ne3A_427 = arith.constant 0 : i32
      %ne3A_428 = arith.cmpi ne, %rem3A_426, %ne3A_427 : i32
      %and3A_429 = arith.andi %ne3A_425, %ne3A_428 : i1
      %sub3A_430 = arith.constant 1 : i32
      %sub3A_431 = arith.subi %div3A_410, %sub3A_430 : i32
      %select_n3A_432 = arith.select %and3A_429, %sub3A_431, %div3A_410 : i32
      %jit3A_433 = arith.constant 64 : i32
      %eq3A_434 = arith.constant 0 : i32
      %eq3A_435 = arith.cmpi eq, %jit3A_433, %eq3A_434 : i32
      %jit3A_436 = arith.constant 1 : i32
      %select_n3A_437 = arith.select %eq3A_435, %jit3A_436, %jit3A_433 : i32
      %rem3A_438 = arith.remsi %add3A_220, %select_n3A_437 : i32
      %ne3A_439 = arith.constant 0 : i32
      %ne3A_440 = arith.cmpi ne, %rem3A_438, %ne3A_439 : i32
      %lt3A_441 = arith.constant 0 : i32
      %lt3A_442 = arith.cmpi slt, %rem3A_438, %lt3A_441 : i32
      %lt3A_443 = arith.constant 0 : i32
      %lt3A_444 = arith.cmpi slt, %select_n3A_437, %lt3A_443 : i32
      %ne3A_445 = arith.xori %lt3A_442, %lt3A_444 : i1
      %and3A_446 = arith.andi %ne3A_445, %ne3A_440 : i1
      %add3A_447 = arith.addi %rem3A_438, %select_n3A_437 : i32
      %select_n3A_448 = arith.select %and3A_446, %add3A_447, %rem3A_438 : i32
      %mul3A_449 = arith.constant 256 : i32
      %mul3A_450 = arith.muli %select_n3A_448, %mul3A_449 : i32
      %dma_start3A_451 = arith.constant 0 : i32
      %dma_start3A_452 = arith.constant 0 : i32
      %dma_start3A_453 = tpu.memref_slice %arg7[%dma_start3A_451, %dma_start3A_452] : memref<32x261xf32, #tpu.memory_space<vmem>> -> memref<32x256xf32, #tpu.memory_space<vmem>>
      %dma_start3A_454 = arith.constant 0 : i32
      %dma_start3A_455 = tpu.memref_slice %arg3[%select_n3A_432, %dma_start3A_454, %mul3A_450] : memref<50x32x16384xf32, #tpu.memory_space<hbm>> -> memref<1x32x256xf32, #tpu.memory_space<hbm>>
      %dma_start3A_456 = tpu.memref_squeeze %dma_start3A_455 : memref<1x32x256xf32, #tpu.memory_space<hbm>> -> memref<32x256xf32, #tpu.memory_space<hbm>>
      %dma_start3A_457 = arith.constant 0 : i32
      %dma_start3A_458 = tpu.memref_slice %arg3[%select_n3A_432, %dma_start3A_457, %mul3A_450] : memref<50x32x16384xf32, #tpu.memory_space<hbm>> -> memref<1x32x256xf32, #tpu.memory_space<hbm>>
      %dma_start3A_459 = tpu.memref_squeeze %dma_start3A_458 : memref<1x32x256xf32, #tpu.memory_space<hbm>> -> memref<32x256xf32, #tpu.memory_space<hbm>>
      %dma_start3A_460 = arith.constant 0 : i32
      %dma_start3A_461 = arith.constant 0 : i32
      %dma_start3A_462 = tpu.memref_slice %arg7[%dma_start3A_460, %dma_start3A_461] : memref<32x261xf32, #tpu.memory_space<vmem>> -> memref<32x256xf32, #tpu.memory_space<vmem>>
      tpu.enqueue_dma source(%dma_start3A_462 : memref<32x256xf32, #tpu.memory_space<vmem>>) target(%dma_start3A_459 : memref<32x256xf32, #tpu.memory_space<hbm>>) target_semaphore(%arg11 : memref<!tpu.dma_semaphore, #tpu.memory_space<semaphore_mem>>)
      %lt3A_463 = arith.constant 49 : i32
      %lt3A_464 = arith.cmpi slt, %add3A_215, %lt3A_463 : i32
      %convert_element_type3A_465 = arith.extui %lt3A_464 : i1 to i32
      %cond3A_466 = arith.constant 0 : i32
      %cond3A_467 = arith.cmpi ne, %convert_element_type3A_465, %cond3A_466 : i32
      scf.if %cond3A_467 {
        %add3A_468 = arith.constant 2 : i32
        %add3A_469 = arith.addi %add3A_220, %add3A_468 : i32
        %jit3A_470 = arith.constant 64 : i32
        %div3A_471 = arith.divsi %add3A_469, %jit3A_470 : i32
        %sign3A_472 = arith.constant 0 : i32
        %sign3A_473 = arith.cmpi sgt, %add3A_469, %sign3A_472 : i32
        %sign3A_474 = arith.extui %sign3A_473 : i1 to i32
        %sign3A_475 = arith.constant 0 : i32
        %sign3A_476 = arith.cmpi slt, %add3A_469, %sign3A_475 : i32
        %sign3A_477 = arith.extui %sign3A_476 : i1 to i32
        %sign3A_478 = arith.subi %sign3A_474, %sign3A_477 : i32
        %sign3A_479 = arith.constant 0 : i32
        %sign3A_480 = arith.cmpi sgt, %jit3A_470, %sign3A_479 : i32
        %sign3A_481 = arith.extui %sign3A_480 : i1 to i32
        %sign3A_482 = arith.constant 0 : i32
        %sign3A_483 = arith.cmpi slt, %jit3A_470, %sign3A_482 : i32
        %sign3A_484 = arith.extui %sign3A_483 : i1 to i32
        %sign3A_485 = arith.subi %sign3A_481, %sign3A_484 : i32
        %ne3A_486 = arith.cmpi ne, %sign3A_478, %sign3A_485 : i32
        %rem3A_487 = arith.remsi %add3A_469, %jit3A_470 : i32
        %ne3A_488 = arith.constant 0 : i32
        %ne3A_489 = arith.cmpi ne, %rem3A_487, %ne3A_488 : i32
        %and3A_490 = arith.andi %ne3A_486, %ne3A_489 : i1
        %sub3A_491 = arith.constant 1 : i32
        %sub3A_492 = arith.subi %div3A_471, %sub3A_491 : i32
        %select_n3A_493 = arith.select %and3A_490, %sub3A_492, %div3A_471 : i32
        %jit3A_494 = arith.constant 64 : i32
        %eq3A_495 = arith.constant 0 : i32
        %eq3A_496 = arith.cmpi eq, %jit3A_494, %eq3A_495 : i32
        %jit3A_497 = arith.constant 1 : i32
        %select_n3A_498 = arith.select %eq3A_496, %jit3A_497, %jit3A_494 : i32
        %rem3A_499 = arith.remsi %add3A_469, %select_n3A_498 : i32
        %ne3A_500 = arith.constant 0 : i32
        %ne3A_501 = arith.cmpi ne, %rem3A_499, %ne3A_500 : i32
        %lt3A_502 = arith.constant 0 : i32
        %lt3A_503 = arith.cmpi slt, %rem3A_499, %lt3A_502 : i32
        %lt3A_504 = arith.constant 0 : i32
        %lt3A_505 = arith.cmpi slt, %select_n3A_498, %lt3A_504 : i32
        %ne3A_506 = arith.xori %lt3A_503, %lt3A_505 : i1
        %and3A_507 = arith.andi %ne3A_506, %ne3A_501 : i1
        %add3A_508 = arith.addi %rem3A_499, %select_n3A_498 : i32
        %select_n3A_509 = arith.select %and3A_507, %add3A_508, %rem3A_499 : i32
        %mul3A_510 = arith.constant 16384 : i32
        %mul3A_511 = arith.muli %select_n3A_493, %mul3A_510 : i32
        %mul3A_512 = arith.constant 256 : i32
        %mul3A_513 = arith.muli %select_n3A_509, %mul3A_512 : i32
        %add3A_514 = arith.addi %mul3A_511, %mul3A_513 : i32
        %mul3A_515 = arith.constant 32 : i32
        %mul3A_516 = arith.muli %add3A_514, %mul3A_515 : i32
        %dma_start3A_517 = tpu.memref_slice %arg2[%mul3A_516] : memref<26214400xf32, #tpu.memory_space<hbm>> -> memref<8192xf32, #tpu.memory_space<hbm>>
        %dma_start3A_518 = tpu.memref_slice %arg2[%mul3A_516] : memref<26214400xf32, #tpu.memory_space<hbm>> -> memref<8192xf32, #tpu.memory_space<hbm>>
        tpu.enqueue_dma source(%dma_start3A_518 : memref<8192xf32, #tpu.memory_space<hbm>>) target(%arg5 : memref<8192xf32, #tpu.memory_space<vmem>>) target_semaphore(%arg9 : memref<!tpu.dma_semaphore, #tpu.memory_space<semaphore_mem>>)
      } else {
      }
    }
    %scan3A_95 = arith.constant 50 : i32
    %add3A_96 = arith.constant 100 : i32
    %add3A_97 = arith.addi %mul3A_2, %add3A_96 : i32
    %sub3A_98 = arith.constant 2 : i32
    %sub3A_99 = arith.subi %add3A_97, %sub3A_98 : i32
    %jit3A_100 = arith.constant 64 : i32
    %div3A_101 = arith.divsi %sub3A_99, %jit3A_100 : i32
    %sign3A_102 = arith.constant 0 : i32
    %sign3A_103 = arith.cmpi sgt, %sub3A_99, %sign3A_102 : i32
    %sign3A_104 = arith.extui %sign3A_103 : i1 to i32
    %sign3A_105 = arith.constant 0 : i32
    %sign3A_106 = arith.cmpi slt, %sub3A_99, %sign3A_105 : i32
    %sign3A_107 = arith.extui %sign3A_106 : i1 to i32
    %sign3A_108 = arith.subi %sign3A_104, %sign3A_107 : i32
    %sign3A_109 = arith.constant 0 : i32
    %sign3A_110 = arith.cmpi sgt, %jit3A_100, %sign3A_109 : i32
    %sign3A_111 = arith.extui %sign3A_110 : i1 to i32
    %sign3A_112 = arith.constant 0 : i32
    %sign3A_113 = arith.cmpi slt, %jit3A_100, %sign3A_112 : i32
    %sign3A_114 = arith.extui %sign3A_113 : i1 to i32
    %sign3A_115 = arith.subi %sign3A_111, %sign3A_114 : i32
    %ne3A_116 = arith.cmpi ne, %sign3A_108, %sign3A_115 : i32
    %rem3A_117 = arith.remsi %sub3A_99, %jit3A_100 : i32
    %ne3A_118 = arith.constant 0 : i32
    %ne3A_119 = arith.cmpi ne, %rem3A_117, %ne3A_118 : i32
    %and3A_120 = arith.andi %ne3A_116, %ne3A_119 : i1
    %sub3A_121 = arith.constant 1 : i32
    %sub3A_122 = arith.subi %div3A_101, %sub3A_121 : i32
    %select_n3A_123 = arith.select %and3A_120, %sub3A_122, %div3A_101 : i32
    %jit3A_124 = arith.constant 64 : i32
    %eq3A_125 = arith.constant 0 : i32
    %eq3A_126 = arith.cmpi eq, %jit3A_124, %eq3A_125 : i32
    %jit3A_127 = arith.constant 1 : i32
    %select_n3A_128 = arith.select %eq3A_126, %jit3A_127, %jit3A_124 : i32
    %rem3A_129 = arith.remsi %sub3A_99, %select_n3A_128 : i32
    %ne3A_130 = arith.constant 0 : i32
    %ne3A_131 = arith.cmpi ne, %rem3A_129, %ne3A_130 : i32
    %lt3A_132 = arith.constant 0 : i32
    %lt3A_133 = arith.cmpi slt, %rem3A_129, %lt3A_132 : i32
    %lt3A_134 = arith.constant 0 : i32
    %lt3A_135 = arith.cmpi slt, %select_n3A_128, %lt3A_134 : i32
    %ne3A_136 = arith.xori %lt3A_133, %lt3A_135 : i1
    %and3A_137 = arith.andi %ne3A_136, %ne3A_131 : i1
    %add3A_138 = arith.addi %rem3A_129, %select_n3A_128 : i32
    %select_n3A_139 = arith.select %and3A_137, %add3A_138, %rem3A_129 : i32
    %mul3A_140 = arith.constant 256 : i32
    %mul3A_141 = arith.muli %select_n3A_139, %mul3A_140 : i32
    %dma_wait3A = arith.constant 0 : i32
    %dma_wait3A_142 = arith.constant 0 : i32
    %dma_wait3A_143 = tpu.memref_slice %arg6[%dma_wait3A, %dma_wait3A_142] : memref<32x261xf32, #tpu.memory_space<vmem>> -> memref<32x256xf32, #tpu.memory_space<vmem>>
    %dma_wait3A_144 = arith.constant 0 : i32
    %dma_wait3A_145 = tpu.memref_slice %arg3[%select_n3A_123, %dma_wait3A_144, %mul3A_141] : memref<50x32x16384xf32, #tpu.memory_space<hbm>> -> memref<1x32x256xf32, #tpu.memory_space<hbm>>
    %dma_wait3A_146 = tpu.memref_squeeze %dma_wait3A_145 : memref<1x32x256xf32, #tpu.memory_space<hbm>> -> memref<32x256xf32, #tpu.memory_space<hbm>>
    %dma_wait3A_147 = arith.constant 0 : i32
    %dma_wait3A_148 = tpu.memref_slice %arg3[%select_n3A_123, %dma_wait3A_147, %mul3A_141] : memref<50x32x16384xf32, #tpu.memory_space<hbm>> -> memref<1x32x256xf32, #tpu.memory_space<hbm>>
    %dma_wait3A_149 = tpu.memref_squeeze %dma_wait3A_148 : memref<1x32x256xf32, #tpu.memory_space<hbm>> -> memref<32x256xf32, #tpu.memory_space<hbm>>
    %dma_wait3A_150 = arith.constant 0 : i32
    %dma_wait3A_151 = arith.constant 0 : i32
    %dma_wait3A_152 = tpu.memref_slice %arg6[%dma_wait3A_150, %dma_wait3A_151] : memref<32x261xf32, #tpu.memory_space<vmem>> -> memref<32x256xf32, #tpu.memory_space<vmem>>
    tpu.wait_dma2 semaphore(%arg10 : memref<!tpu.dma_semaphore, #tpu.memory_space<semaphore_mem>>) src(%dma_wait3A_152 : memref<32x256xf32, #tpu.memory_space<vmem>>) dst(%dma_wait3A_149 : memref<32x256xf32, #tpu.memory_space<hbm>>)
    %add3A_153 = arith.constant 100 : i32
    %add3A_154 = arith.addi %mul3A_2, %add3A_153 : i32
    %sub3A_155 = arith.constant 1 : i32
    %sub3A_156 = arith.subi %add3A_154, %sub3A_155 : i32
    %jit3A_157 = arith.constant 64 : i32
    %div3A_158 = arith.divsi %sub3A_156, %jit3A_157 : i32
    %sign3A_159 = arith.constant 0 : i32
    %sign3A_160 = arith.cmpi sgt, %sub3A_156, %sign3A_159 : i32
    %sign3A_161 = arith.extui %sign3A_160 : i1 to i32
    %sign3A_162 = arith.constant 0 : i32
    %sign3A_163 = arith.cmpi slt, %sub3A_156, %sign3A_162 : i32
    %sign3A_164 = arith.extui %sign3A_163 : i1 to i32
    %sign3A_165 = arith.subi %sign3A_161, %sign3A_164 : i32
    %sign3A_166 = arith.constant 0 : i32
    %sign3A_167 = arith.cmpi sgt, %jit3A_157, %sign3A_166 : i32
    %sign3A_168 = arith.extui %sign3A_167 : i1 to i32
    %sign3A_169 = arith.constant 0 : i32
    %sign3A_170 = arith.cmpi slt, %jit3A_157, %sign3A_169 : i32
    %sign3A_171 = arith.extui %sign3A_170 : i1 to i32
    %sign3A_172 = arith.subi %sign3A_168, %sign3A_171 : i32
    %ne3A_173 = arith.cmpi ne, %sign3A_165, %sign3A_172 : i32
    %rem3A_174 = arith.remsi %sub3A_156, %jit3A_157 : i32
    %ne3A_175 = arith.constant 0 : i32
    %ne3A_176 = arith.cmpi ne, %rem3A_174, %ne3A_175 : i32
    %and3A_177 = arith.andi %ne3A_173, %ne3A_176 : i1
    %sub3A_178 = arith.constant 1 : i32
    %sub3A_179 = arith.subi %div3A_158, %sub3A_178 : i32
    %select_n3A_180 = arith.select %and3A_177, %sub3A_179, %div3A_158 : i32
    %jit3A_181 = arith.constant 64 : i32
    %eq3A_182 = arith.constant 0 : i32
    %eq3A_183 = arith.cmpi eq, %jit3A_181, %eq3A_182 : i32
    %jit3A_184 = arith.constant 1 : i32
    %select_n3A_185 = arith.select %eq3A_183, %jit3A_184, %jit3A_181 : i32
    %rem3A_186 = arith.remsi %sub3A_156, %select_n3A_185 : i32
    %ne3A_187 = arith.constant 0 : i32
    %ne3A_188 = arith.cmpi ne, %rem3A_186, %ne3A_187 : i32
    %lt3A_189 = arith.constant 0 : i32
    %lt3A_190 = arith.cmpi slt, %rem3A_186, %lt3A_189 : i32
    %lt3A_191 = arith.constant 0 : i32
    %lt3A_192 = arith.cmpi slt, %select_n3A_185, %lt3A_191 : i32
    %ne3A_193 = arith.xori %lt3A_190, %lt3A_192 : i1
    %and3A_194 = arith.andi %ne3A_193, %ne3A_188 : i1
    %add3A_195 = arith.addi %rem3A_186, %select_n3A_185 : i32
    %select_n3A_196 = arith.select %and3A_194, %add3A_195, %rem3A_186 : i32
    %mul3A_197 = arith.constant 256 : i32
    %mul3A_198 = arith.muli %select_n3A_196, %mul3A_197 : i32
    %dma_wait3A_199 = arith.constant 0 : i32
    %dma_wait3A_200 = arith.constant 0 : i32
    %dma_wait3A_201 = tpu.memref_slice %arg7[%dma_wait3A_199, %dma_wait3A_200] : memref<32x261xf32, #tpu.memory_space<vmem>> -> memref<32x256xf32, #tpu.memory_space<vmem>>
    %dma_wait3A_202 = arith.constant 0 : i32
    %dma_wait3A_203 = tpu.memref_slice %arg3[%select_n3A_180, %dma_wait3A_202, %mul3A_198] : memref<50x32x16384xf32, #tpu.memory_space<hbm>> -> memref<1x32x256xf32, #tpu.memory_space<hbm>>
    %dma_wait3A_204 = tpu.memref_squeeze %dma_wait3A_203 : memref<1x32x256xf32, #tpu.memory_space<hbm>> -> memref<32x256xf32, #tpu.memory_space<hbm>>
    %dma_wait3A_205 = arith.constant 0 : i32
    %dma_wait3A_206 = tpu.memref_slice %arg3[%select_n3A_180, %dma_wait3A_205, %mul3A_198] : memref<50x32x16384xf32, #tpu.memory_space<hbm>> -> memref<1x32x256xf32, #tpu.memory_space<hbm>>
    %dma_wait3A_207 = tpu.memref_squeeze %dma_wait3A_206 : memref<1x32x256xf32, #tpu.memory_space<hbm>> -> memref<32x256xf32, #tpu.memory_space<hbm>>
    %dma_wait3A_208 = arith.constant 0 : i32
    %dma_wait3A_209 = arith.constant 0 : i32
    %dma_wait3A_210 = tpu.memref_slice %arg7[%dma_wait3A_208, %dma_wait3A_209] : memref<32x261xf32, #tpu.memory_space<vmem>> -> memref<32x256xf32, #tpu.memory_space<vmem>>
    tpu.wait_dma2 semaphore(%arg11 : memref<!tpu.dma_semaphore, #tpu.memory_space<semaphore_mem>>) src(%dma_wait3A_210 : memref<32x256xf32, #tpu.memory_space<vmem>>) dst(%dma_wait3A_207 : memref<32x256xf32, #tpu.memory_space<hbm>>)
    return
  }
}

</mosaic_0001>

<sc_bundles>
// kernel: kernel.4.cloned.1.call-start
scs
__scs_entry_jumppad:
0x0: {  	(pc) =	sbr.rel $0x88, $3  }
0x1: {  	(tag) =	ssettag $0x0;
	lr =	simm.s32 $0x1  }
0x2: {  	[smem:$0x3F9F] =	sst lr;
	_ =	strace $0xD0000000  }
0x3: {  	_ = 	snop  }
0x4: {  	_ = 	snop  }
0x5: {  	_ = 	snop  }
0x6: {  	_ = 	snop  }
0x7: {  	_ = 	snop  }
__scs_overlays_trampoline_lowered:
0x8: {  	[smem:$0x3FAE] =	sst s0  }
0x9: {  	[smem:$0x3FAF] =	sst s1  }
0xa: {  	[smem:$0x3FB0] =	sst s2  }
0xb: {  	[smem:$0x3FB1] =	sst s3  }
0xc: {  	[smem:$0x3FB2] =	sst s4  }
0xd: {  	[smem:$0x3FB3] =	sst s5  }
0xe: {  	[smem:$0x3FB4] =	sst s6  }
0xf: {  	[smem:$0x3FB5] =	sst s7  }
0x10: {  	[smem:$0x3FB6] =	sst s8  }
0x11: {  	[smem:$0x3FB7] =	sst s9;
	s0 =	simm.s32 @!p0 $0x0  }
0x12: {  	s1 =	sld [smem:$0x3F9D];
	s0 =	simm.s32 @p0 $0x1  }
0x13: {  	[smem:$0x3FB8] =	sst s0;
	s0 =	simm.s32 @!p1 $0x0  }
0x14: {  	s2 =	sld [smem:$0x3F9C];
	s0 =	simm.s32 @p1 $0x1  }
0x15: {  	[smem:$0x3FB9] =	sst s0;
	s0 =	simm.s32 @!p2 $0x0  }
0x16: {  	s3 =	sld [smem:$0x3FDB];
	s0 =	simm.s32 @p2 $0x1  }
0x17: {  	s4 =	simm.s32 $0x1BF5;
	[smem:$0x3FBB] =	sst s0  }
0x18: {  	s0 =	sld [smem:$0x3F9E];
	_ =	swait.ge [sflag:s4], $0x0  }
0x19: {  	s7 =	sld [smem:$0x3F9F]  }
0x1a: {  	s8 =	sadd.s32 $0xFFFFE003, lr  }
0x1b: {  	s9 =	sadd.s32 $0xFFFFFEF7, lr;
	s5 =	simm.s32 $0xFFFFFFFF;
	p2 =	slt.u32 s8, $0xFFFFF086  }
0x1c: {  	p1 =	slt.u32 s9, $0xF7A;
	s5 =	simm.s32 @!p2 $0x0  }
0x1d: {  	s5 =	simm.s32 @p1 $0x1;
	p0 =	seq.s32 s7, s2  }
0x1e: {  	s7 =	smul.u32 @!p0 $0xF7A, s2;
	p2 =	seq.s32 @!p0 s5, $0x0  }
0x1f: {  	s9 =	smul.u32 $0xF7A, s1;
	s8 =	simm.s32 @!p0 $0x1BF5;
	p2 =	por !p2, p0  }
0x20: {  	[sflag:s8] =	ssyncset.s32 @!p0 $0xFFFFF086;
	s6 =	sadd.s32 @!p0 s3, s7;
	s7 =	simm.s32 @!p0 $0x108  }
0x21: {  	s3 =	sadd.s32 s3, s9;
	s6 =	sadd.s32 @!p0 $0x88, s6;
	s7 =	simm.s32 @p2 $0x1082  }
0x22: {  	[simem:s7], [sflag:s8] =	dma.local @!p0 [hbm:s6], $0xF7A  }
0x23: {  	s9 =	sor.u32 $0xD0000000, s2;
	s6 =	simm.s32 $0x108;
	_ =	swait.ge @!p0 [sflag:s8], $0x0  }
0x24: {  	s3 =	sadd.s32 $0x88, s3;
	s6 =	simm.s32 @!p1 $0x1082;
	[sflag:s4] =	ssyncset.s32 $0xFFFFF086  }
0x25: {  	[simem:s6], [sflag:s4] =	dma.local [hbm:s3], $0xF7A  }
0x26: {  	[smem:$0x3F9F] =	sst s1;
	(tag) =	ssettag s2;
	_ =	strace s9  }
0x27: {  	s1 =	sld [smem:$0x3FAF]  }
0x28: {  	s2 =	sld [smem:$0x3FB0]  }
0x29: {  	s4 =	sld [smem:$0x3FB2]  }
0x2a: {  	p0 =	seq.s32 s5, $0x0;
	s5 =	sld [smem:$0x3FB3]  }
0x2b: {  	s6 =	sld [smem:$0x3FB4]  }
0x2c: {  	s7 =	sld [smem:$0x3FB5]  }
0x2d: {  	s3 =	simm.s32 $0x108;
	s8 =	sld [smem:$0x3FB6]  }
0x2e: {  	s3 =	simm.s32 @!p0 $0x1082;
	s9 =	sld [smem:$0x3FB7]  }
0x2f: {  	lr =	sadd.s32 s0, s3;
	s0 =	sld [smem:$0x3FAE]  }
0x30: {  	s3 =	sld [smem:$0x3FB1]  }
0x31: {  	[smem:$0x3FBA] =	sst s10  }
0x32: {  	s10 =	sld [smem:$0x3FB8];
	_ =	sdelay $0x3  }
0x33: {  	p0 =	seq.s32 s10, $0x1;
	s10 =	sld [smem:$0x3FBA];
	_ =	sdelay $0x3  }
0x34: {  	[smem:$0x3FBA] =	sst s10  }
0x35: {  	s10 =	sld [smem:$0x3FB9];
	_ =	sdelay $0x3  }
0x36: {  	p1 =	seq.s32 s10, $0x1;
	s10 =	sld [smem:$0x3FBA];
	_ =	sdelay $0x3  }
0x37: {  	[smem:$0x3FBA] =	sst s10  }
0x38: {  	s10 =	sld [smem:$0x3FBB]  }
0x39: {  	_ = 	snop;
	(pc) =	sbr.ind lr, $3  }
0x3a: {  	_ = 	snop  }
0x3b: {  	_ = 	snop  }
0x3c: {  	p2 =	seq.s32 s10, $0x1;
	s10 =	sld [smem:$0x3FBA]  }
0x3d: {  	_ =	shalt  }
0x3e: {  	_ =	shalt  }
0x3f: {  	_ =	shalt  }
0x40: {  	_ =	shalt  }
0x41: {  	_ =	shalt  }
0x42: {  	_ =	shalt  }
0x43: {  	_ =	shalt  }
0x44: {  	_ =	shalt  }
0x45: {  	_ =	shalt  }
0x46: {  	_ =	shalt  }
0x47: {  	_ =	shalt  }
0x48: {  	_ =	shalt  }
0x49: {  	_ =	shalt  }
0x4a: {  	_ =	shalt  }
0x4b: {  	_ =	shalt  }
0x4c: {  	_ =	shalt  }
0x4d: {  	_ =	shalt  }
0x4e: {  	_ =	shalt  }
0x4f: {  	_ =	shalt  }
0x50: {  	_ =	shalt  }
0x51: {  	_ =	shalt  }
0x52: {  	_ =	shalt  }
0x53: {  	_ =	shalt  }
0x54: {  	_ =	shalt  }
0x55: {  	_ =	shalt  }
0x56: {  	_ =	shalt  }
0x57: {  	_ =	shalt  }
0x58: {  	_ =	shalt  }
0x59: {  	_ =	shalt  }
0x5a: {  	_ =	shalt  }
0x5b: {  	_ =	shalt  }
0x5c: {  	_ =	shalt  }
0x5d: {  	_ =	shalt  }
0x5e: {  	_ =	shalt  }
0x5f: {  	_ =	shalt  }
0x60: {  	_ =	shalt  }
0x61: {  	_ =	shalt  }
0x62: {  	_ =	shalt  }
0x63: {  	_ =	shalt  }
0x64: {  	_ =	shalt  }
0x65: {  	_ =	shalt  }
0x66: {  	_ =	shalt  }
0x67: {  	_ =	shalt  }
0x68: {  	_ =	shalt  }
0x69: {  	_ =	shalt  }
0x6a: {  	_ =	shalt  }
0x6b: {  	_ =	shalt  }
0x6c: {  	_ =	shalt  }
0x6d: {  	_ =	shalt  }
0x6e: {  	_ =	shalt  }
0x6f: {  	_ =	shalt  }
0x70: {  	_ =	shalt  }
0x71: {  	_ =	shalt  }
0x72: {  	_ =	shalt  }
0x73: {  	_ =	shalt  }
0x74: {  	_ =	shalt  }
0x75: {  	_ =	shalt  }
0x76: {  	_ =	shalt  }
0x77: {  	_ =	shalt  }
0x78: {  	_ =	shalt  }
0x79: {  	_ =	shalt  }
0x7a: {  	_ =	shalt  }
0x7b: {  	_ =	shalt  }
0x7c: {  	_ =	shalt  }
0x7d: {  	_ =	shalt  }
0x7e: {  	_ =	shalt  }
0x7f: {  	_ =	shalt  }
0x80: {  	_ =	shalt  }
0x81: {  	_ =	shalt  }
0x82: {  	_ =	shalt  }
0x83: {  	_ =	shalt  }
0x84: {  	_ =	shalt  }
0x85: {  	_ =	shalt  }
0x86: {  	_ =	shalt  }
0x87: {  	_ =	shalt  }
.Lfunc_end0:
.L_simem_size_0:
called_computation_lowered:
.L_overlay_start_0:
0x88: {  	s2 =	sld [smem:$0x3FD9]  }
0x89: {  	s3 =	sld [smem:$0x3FFE];
	_ =	sdelay $0x1  }
0x8a: {  	s1 =	srdreg.scid  }
0x8b: {  	s0 =	sand.u32 $0x1, s1  }
0x8c: {  	s17 =	sshll.u32 s0, $0xA;
	s2 =	sadd.s32 s3, s2  }
0x8d: {  	s2 =	sadd.s32 s2, s17  }
0x8e: {  	[smem:$0x3FC6] =	sst s2  }
0x8f: {  	_ = 	snop  }
0x90: {  	s2 =	sld [smem:$0x3FD0];
	(tm) =	ssettm $0x1  }
0x91: {  	s18 =	sld [smem:$0x3FFB];
	_ =	sdelay $0x3  }
0x92: {  	_ =	strace s18  }
0x93: {  	s3 =	sld [smem:$0x3FFC];
	_ =	sdelay $0x3  }
0x94: {  	_ =	strace s3  }
0x95: {  	s3 =	sld [smem:$0x3FFD];
	_ =	sdelay $0x3  }
0x96: {  	_ =	strace s3  }
0x97: {  	_ =	strace $0x8FFFFFFF  }
0x98: {  	s19 =	sld [smem:$0x3FDB];
	_ =	sdelay $0x1  }
0x99: {  	s4 =	simm.s32 $_scs_section_size  }
0x9a: {  	s5 =	simm.s32 $_size__tile_overlayer_lowered;
	s6 =	simm.s32 $_tile_overlayer_lowered  }
0x9b: {  	s22 =	simm.s32 $0x1BFF;
	s21 =	sshll.u32 s6, $0x1;
	s3 =	sadd.s32 s4, s19  }
0x9c: {  	s7 =	simm.s32 $0x0;
	s20 =	sshll.u32 s5, $0x1;
	s5 =	sadd.s32 s21, s3  }
0x9d: {  	[timem:s7], [sflag:s22] =	dma.local [hbm:s5], s20  }
0x9e: {  	_ =	swait.ge [sflag:s22], s20  }
0x9f: {  	s4 =	ssub.s32 $0x0, s20;
	[sflag:s22] =	ssyncset.done $0x0  }
0xa0: {  	[sflag:s22] =	ssyncadd.s32 s4;
	_ =	sdelay $0x1  }
0xa1: {  	s23 =	simm.s32 $0x1B8B  }
0xa2: {  	_ =	swait.ge [sflag:s23], $0x1  }
0xa3: {  	[sflag:s23] =	ssyncset.done $0x0  }
0xa4: {  	s25 =	simm.s32 $0x1B8E;
	s24 =	sld [smem:$0x3FFE];
	[sflag:s23] =	ssyncadd.s32 $0xFFFFFFFF  }
0xa5: {  	s26 =	simm.s32 $execute0_lowered;
	[smem:$0x3FD2] =	sst s25  }
0xa6: {  	s5 =	sshll.u32 s26, $0x1;
	_ =	strace $0x80000046;
	[dreg:$0x1] =	wrdreg $0xFFFFFFFF  }
0xa7: {  	s28 =	simm.s32 $_size_execute0_lowered;
	s3 =	sadd.s32 s3, s5;
	[dreg:$0x0] =	wrdreg $0x0  }
0xa8: {  	s5 =	sshll.u32 s28, $0x1;
	[dreg:$0x2] =	wrdreg s3  }
0xa9: {  	[dreg:$0x3] =	wrdreg s5  }
0xaa: {  	[dreg:$0x4] =	wrdreg $0xC0  }
0xab: {  	_ =	task [dreg:s7], $0x5FFFF  }
0xac: {  	[dreg:$0x1] =	wrdreg $0xFFFFFFFF  }
0xad: {  	[dreg:$0x0] =	wrdreg $0x60  }
0xae: {  	[dreg:$0x2] =	wrdreg s24  }
0xaf: {  	[dreg:$0x3] =	wrdreg s2  }
0xb0: {  	[dreg:$0x4] =	wrdreg $0x9  }
0xb1: {  	_ =	task.clear_ibuf [dreg:s7], $0x5FFFF;
	_ =	strace $0x90000046  }
0xb2: {  	s29 =	simm.s32 $0x9;
	_ =	strace $0x80000048  }
0xb3: {  	_ =	swait.ge [sflag:s29], $0x1  }
0xb4: {  	[sflag:s29] =	ssyncadd.s32 $0xFFFFFFFF  }
0xb5: {  	_ =	strace $0x90000048  }
0xb6: {  	_ =	sfence  }
0xb7: {  	s30 =	sld [smem:$0x0];
	_ =	sdelay $0x2  }
0xb8: {  	s31 =	sshll.u32 s1, $0xD;
	s1 =	sshrl.u32 s1, $0x2  }
0xb9: {  	s3 =	sand.u32 $0x4000, s31;
	s1 =	sadd.s32 s1, s30  }
0xba: {  	s0 =	sor.u32 s3, s0;
	s1 =	sshll.u32 s1, $0x11  }
0xbb: {  	s0 =	sor.u32 s1, s0  }
0xbc: {  	s0 =	sadd.s32 $0x8F2B, s0  }
0xbd: {  	[sflag:s0] =	ssyncadd.remote.s32 $0x1  }
0xbe: {  	_ =	sfence.sel $0xFFFF  }
0xbf: {  	[dreg:$0x0] =	wrdreg $0xFFFFFFFF;
	(pc) =	sbr.abs _section_cstart, $3  }
0xc0: {  	[dreg:$0x1] =	wrdreg $0xFFFFFFFF  }
0xc1: {  	_ =	task.clear_ibuf [dreg:s7], $0x2FFFF;
	_ =	strace $0x9FFFFFFF  }
0xc2: {  	(tm) =	ssettm $0x7FFFFFFF  }
0xc3: {  	_ =	shalt  }
tec
execute0_lowered:
.L_overlay_start_1:
0x0: {  	(tag) =	ssettag $0x1  }
0x1: {  	s1 =	srdreg.scid  }
0x2: {  	s0 =	stileid.u32;
	s4 =	rddreg [dreg:$0x0]  }
0x3: {  	s10 =	rddreg [dreg:$0x1];
	s2 =	simm.s32 $0x0;
	s17 =	simm.s32 $0x1  }
0x4: {  	s18 =	simm.s32 $0x2;
	s19 =	simm.s32 $0x3;
	s30 =	smul.u32 $0x1900, s0  }
0x5: {  	s20 =	simm.s32 $0x4;
	s9 =	sand.u32 $0x1, s1;
	s31 =	smul.u32 $0x32000, s0  }
0x6: {  	s21 =	simm.s32 $0x0;
	s24 =	sshll.u32 s0, $0x1;
	s15 =	smul.u32 $0xC80, s9  }
0x7: {  	s1 =	rddreg [dreg:$0x2];
	s5 =	sor.u32 s9, s24;
	s16 =	smul.u32 $0x19000, s9  }
0x8: {  	[smem:$0x7FF] =	sst s2;
	s3 =	sadd.s32 $0xF42E00, s4;
	s6 =	smul.u32 $0x6400, s5  }
0x9: {  	s13 =	sadd.s32 $0xA00, s4;
	s8 =	ssub.s32 $0x2, s9;
	s7 =	smul.u32 $0x2400, s5  }
0xa: {  	_ =	strace $0x80000047;
	s11 =	sshrl.u32 s8, $0x1;
	s26 =	smul.u32 $0x19, s5  }
0xb: {  	s28 =	smul.u32 $0x19000, s5;
	s8 =	ssub.s32 s8, s11;
	s12 =	sand.u32 $0xFC000, s6  }
0xc: {  	s7 =	sand.u32 $0x3C00, s7;
	s6 =	sshrl.u32 s6, $0x3;
	s29 =	sadd.s32 $0x18, s26  }
0xd: {  	s8 =	smax.u32 s8, $0x1;
	s11 =	sadd.s32 s13, s28;
	s25 =	sor.u32 s7, s12  }
0xe: {  	s6 =	sadd.s32 s10, s6;
	s7 =	sshll.u32 s29, $0x7;
	s14 =	sshll.u32 s29, $0xC  }
0xf: {  	s9 =	sadd.s32 $0x16000, s11;
	s12 =	sadd.s32 s30, s10;
	s4 =	sshrl.u32 s25, $0x3  }
0x10: {  	s5 =	sadd.s32 $0x80, s6;
	s6 =	sadd.s32 s10, s7;
	s7 =	sadd.s32 s13, s14  }
0x11: {  	s13 =	sadd.s32 s31, s13;
	s14 =	simm.s32 $0x400;
	s4 =	sadd.s32 s10, s4  }
0x12: {  	s10 =	sadd.s32 $0x17000, s11;
	s11 =	sadd.s32 s15, s12;
	s12 =	sadd.s32 s16, s13  }
0x13: {  	s13 =	simm.s32 $0x5;
	s15 =	simm.s32 $0x800;
	s16 =	simm.s32 $0x8800  }
.LBB2_1:
0x14: {  	[tilespmem:s2], [sflag:$0x5] =	stream.linear.gather [hbm4b:s4+s2], $0x400, $0x38;
	[tilespmem:$0x10800] =	vst v63  }
0x15: {  	_ =	swait.ge [sflag:s13], $0x400  }
0x16: {  	[sflag:s13] =	ssyncset.done $0x0  }
0x17: {  	[sflag:s13] =	ssyncadd.s32 $0xFFFFFC00  }
0x18: {  	[tilespmem:s15], [sflag:$0x1] =	stream.indirect.gather [hbm4b:s3+s14], $0x20, s2, s14, $0xb8;
	[tilespmem:$0x10800] =	vst v63  }
0x19: {  	_ = 	snop  }
0x1a: {  	[tilespmem:s14], [sflag:$0x5] =	stream.linear.gather [hbm4b:s5+s2], $0x400, $0x38;
	[tilespmem:$0x10800] =	vst v63  }
0x1b: {  	_ =	swait.ge [sflag:s13], $0x400  }
0x1c: {  	[sflag:s13] =	ssyncset.done $0x0  }
0x1d: {  	[sflag:s13] =	ssyncadd.s32 $0xFFFFFC00  }
0x1e: {  	[tilespmem:s16], [sflag:$0x2] =	stream.indirect.gather [hbm4b:s3+s14], $0x20, s14, s14, $0xb8;
	[tilespmem:$0x10800] =	vst v63  }
0x1f: {  	_ =	swait.ge [sflag:s17], $0x8000  }
0x20: {  	[sflag:s17] =	ssyncset.done $0x0  }
0x21: {  	[sflag:s17] =	ssyncadd.s32 $0xFFFF8000  }
0x22: {  	[hbm4b:s12+s2] =	stream.linear.scatter [tilespmem:s15], [sflag:$0x3], $0x8000, $0x38;
	[tilespmem:$0x10800] =	vst v63  }
0x23: {  	_ =	swait.ge [sflag:s18], $0x8000  }
0x24: {  	[sflag:s18] =	ssyncset.done $0x0  }
0x25: {  	s22 =	sadd.s32 $0x1000, s12;
	s23 =	sadd.s32 $0x0, s11;
	[sflag:s18] =	ssyncadd.s32 $0xFFFF8000  }
0x26: {  	[hbm4b:s22+s2] =	stream.linear.scatter [tilespmem:s16], [sflag:$0x4], $0x8000, $0x38;
	[tilespmem:$0x10800] =	vst v63  }
0x27: {  	s30 =	sadd.s32 $0x100, s23  }
0x28: {  	[tilespmem:s2], [sflag:$0x5] =	stream.linear.gather [hbm4b:s30+s2], $0x400, $0x38;
	[tilespmem:$0x10800] =	vst v63  }
0x29: {  	_ =	swait.ge [sflag:s13], $0x400  }
0x2a: {  	[sflag:s13] =	ssyncset.done $0x0  }
0x2b: {  	[sflag:s13] =	ssyncadd.s32 $0xFFFFFC00  }
0x2c: {  	_ =	swait.ge [sflag:s19], $0x8000  }
0x2d: {  	[sflag:s19] =	ssyncset.done $0x0  }
0x2e: {  	[sflag:s19] =	ssyncadd.s32 $0xFFFF8000  }
0x2f: {  	[tilespmem:s15], [sflag:$0x1] =	stream.indirect.gather [hbm4b:s3+s14], $0x20, s2, s14, $0xb8;
	[tilespmem:$0x10800] =	vst v63  }
0x30: {  	s31 =	sadd.s32 $0x180, s23  }
0x31: {  	[tilespmem:s14], [sflag:$0x5] =	stream.linear.gather [hbm4b:s31+s2], $0x400, $0x38;
	[tilespmem:$0x10800] =	vst v63  }
0x32: {  	_ =	swait.ge [sflag:s13], $0x400  }
0x33: {  	[sflag:s13] =	ssyncset.done $0x0  }
0x34: {  	[sflag:s13] =	ssyncadd.s32 $0xFFFFFC00  }
0x35: {  	_ =	swait.ge [sflag:s20], $0x8000  }
0x36: {  	[sflag:s20] =	ssyncset.done $0x0  }
0x37: {  	s23 =	sadd.s32 $0x2000, s12;
	s22 =	simm.s32 $0x100;
	[sflag:s20] =	ssyncadd.s32 $0xFFFF8000  }
.LBB2_2:
0x38: {  	[tilespmem:s16], [sflag:$0x2] =	stream.indirect.gather [hbm4b:s3+s14], $0x20, s14, s14, $0xb8;
	[tilespmem:$0x10800] =	vst v63  }
0x39: {  	s24 =	smov.u32 s22  }
0x3a: {  	p0 =	sne.s32 s22, $0xA00;
	s22 =	sadd.s32 $0x100, s22;
	_ =	swait.ge [sflag:s17], $0x8000  }
0x3b: {  	[sflag:s17] =	ssyncset.done $0x0  }
0x3c: {  	[sflag:s17] =	ssyncadd.s32 $0xFFFF8000  }
0x3d: {  	[hbm4b:s23+s2] =	stream.linear.scatter [tilespmem:s15], [sflag:$0x3], $0x8000, $0x38;
	[tilespmem:$0x10800] =	vst v63  }
0x3e: {  	_ =	swait.ge [sflag:s18], $0x8000  }
0x3f: {  	[sflag:s18] =	ssyncset.done $0x0  }
0x40: {  	s25 =	sadd.s32 $0x1000, s23;
	s24 =	sadd.s32 s24, s11;
	[sflag:s18] =	ssyncadd.s32 $0xFFFF8000  }
0x41: {  	[hbm4b:s25+s2] =	stream.linear.scatter [tilespmem:s16], [sflag:$0x4], $0x8000, $0x38;
	[tilespmem:$0x10800] =	vst v63  }
0x42: {  	s25 =	sadd.s32 $0x100, s24  }
0x43: {  	[tilespmem:s2], [sflag:$0x5] =	stream.linear.gather [hbm4b:s25+s2], $0x400, $0x38;
	[tilespmem:$0x10800] =	vst v63  }
0x44: {  	_ =	swait.ge [sflag:s13], $0x400  }
0x45: {  	[sflag:s13] =	ssyncset.done $0x0  }
0x46: {  	[sflag:s13] =	ssyncadd.s32 $0xFFFFFC00  }
0x47: {  	_ =	swait.ge [sflag:s19], $0x8000  }
0x48: {  	[sflag:s19] =	ssyncset.done $0x0  }
0x49: {  	[sflag:s19] =	ssyncadd.s32 $0xFFFF8000  }
0x4a: {  	[tilespmem:s15], [sflag:$0x1] =	stream.indirect.gather [hbm4b:s3+s14], $0x20, s2, s14, $0xb8;
	[tilespmem:$0x10800] =	vst v63  }
0x4b: {  	s24 =	sadd.s32 $0x180, s24  }
0x4c: {  	[tilespmem:s14], [sflag:$0x5] =	stream.linear.gather [hbm4b:s24+s2], $0x400, $0x38;
	[tilespmem:$0x10800] =	vst v63  }
0x4d: {  	_ =	swait.ge [sflag:s13], $0x400  }
.Ltmp0:
0x4e: {  	[sflag:s13] =	ssyncset.done $0x0;
	(pc) =	sbr.rel @p0 .LBB2_2-.Ltmp0, $4  }
0x4f: {  	[sflag:s13] =	ssyncadd.s32 $0xFFFFFC00  }
0x50: {  	_ =	swait.ge [sflag:s20], $0x8000  }
0x51: {  	[sflag:s20] =	ssyncset.done $0x0  }
0x52: {  	s23 =	sadd.s32 $0x2000, s23;
	[sflag:s20] =	ssyncadd.s32 $0xFFFF8000  }
0x53: {  	[tilespmem:s16], [sflag:$0x2] =	stream.indirect.gather [hbm4b:s3+s14], $0x20, s14, s14, $0xb8;
	[tilespmem:$0x10800] =	vst v63  }
0x54: {  	_ =	swait.ge [sflag:s17], $0x8000  }
0x55: {  	[sflag:s17] =	ssyncset.done $0x0  }
0x56: {  	[sflag:s17] =	ssyncadd.s32 $0xFFFF8000  }
0x57: {  	[hbm4b:s9+s2] =	stream.linear.scatter [tilespmem:s15], [sflag:$0x3], $0x8000, $0x38;
	[tilespmem:$0x10800] =	vst v63  }
0x58: {  	_ =	swait.ge [sflag:s18], $0x8000  }
0x59: {  	[sflag:s18] =	ssyncset.done $0x0  }
0x5a: {  	[sflag:s18] =	ssyncadd.s32 $0xFFFF8000  }
0x5b: {  	[hbm4b:s10+s2] =	stream.linear.scatter [tilespmem:s16], [sflag:$0x4], $0x8000, $0x38;
	[tilespmem:$0x10800] =	vst v63  }
0x5c: {  	_ =	swait.ge [sflag:s19], $0x8000  }
0x5d: {  	[sflag:s19] =	ssyncset.done $0x0  }
0x5e: {  	[sflag:s19] =	ssyncadd.s32 $0xFFFF8000  }
0x5f: {  	_ =	swait.ge [sflag:s20], $0x8000  }
0x60: {  	[sflag:s20] =	ssyncset.done $0x0  }
0x61: {  	[sflag:s20] =	ssyncadd.s32 $0xFFFF8000  }
0x62: {  	[tilespmem:s2], [sflag:$0x5] =	stream.linear.gather [hbm4b:s6+s2], $0x400, $0x38;
	[tilespmem:$0x10800] =	vst v63  }
0x63: {  	_ =	swait.ge [sflag:s13], $0x400  }
0x64: {  	[sflag:s13] =	ssyncset.done $0x0  }
0x65: {  	[sflag:s13] =	ssyncadd.s32 $0xFFFFFC00  }
0x66: {  	[tilespmem:s15], [sflag:$0x1] =	stream.indirect.gather [hbm4b:s3+s14], $0x20, s2, s14, $0xb8;
	[tilespmem:$0x10800] =	vst v63  }
0x67: {  	s21 =	sadd.s32 $0x1, s21;
	_ =	swait.ge [sflag:s17], $0x8000  }
0x68: {  	p0 =	sne.s32 s21, s8;
	[sflag:s17] =	ssyncset.done $0x0  }
.Ltmp1:
0x69: {  	[sflag:s17] =	ssyncadd.s32 $0xFFFF8000;
	(pc) =	sbr.rel @p0 .LBB2_1-.Ltmp1, $4  }
0x6a: {  	[hbm4b:s7+s2] =	stream.linear.scatter [tilespmem:s15], [sflag:$0x3], $0x8000, $0x38;
	[tilespmem:$0x10800] =	vst v63  }
0x6b: {  	_ =	swait.ge [sflag:s19], $0x8000  }
0x6c: {  	[sflag:s19] =	ssyncset.done $0x0  }
0x6d: {  	[sflag:s19] =	ssyncadd.s32 $0xFFFF8000  }
0x6e: {  	_ =	sfence.sel $0x180000  }
0x6f: {  	[bflag:$0x0] =	sbarrier.arrive $0xFFFF  }
0x70: {  	p0 =	sne.s32 s0, $0x0;
	_ =	strace $0x90000047  }
0x71: {  	s0 =	sadd.s32 @!p0 $0x100000, s1;
	[bflag:$0x2] =	sbarrier.arrive $0xFFFF  }
0x72: {  	[sflag:s0] =	ssyncadd.tile.s32 @!p0 $0x1;
	_ =	shalt  }
.Lfunc_end2:
_tile_overlayer_lowered:
.L_overlay_start_2:
0x73: {  	(tag) =	ssettag $0x2  }
0x74: {  	s0 =	rddreg [dreg:$0x0];
	s2 =	stileid.u32  }
0x75: {  	s1 =	rddreg [dreg:$0x1];
	p0 =	sne.s32 s2, $0x0  }
0x76: {  	s3 =	rddreg [dreg:$0x2];
	[bflag:$0x3] =	sbarrier.arrive $0xFFFF;
	s2 =	simm.s32 @!p0 $0x1C05  }
0x77: {  	[timem:s3], [sflag:s2] =	dma.local @!p0 [hbm:s0], s1  }
0x78: {  	s0 =	simm.s32 @!p0 $0x5  }
0x79: {  	_ =	swait.ge @!p0 [sflag:s0], s1  }
0x7a: {  	s1 =	ssub.s32 @!p0 $0x0, s1;
	[sflag:s0] =	ssyncset.done @!p0 $0x0  }
0x7b: {  	[sflag:s0] =	ssyncadd.s32 @!p0 s1  }
0x7c: {  	[bflag:$0x3] =	sbarrier.arrive $0xFFFF  }
0x7d: {  	_ =	shalt  }

// kernel: kernel.7.cloned.1.call-start
scs
__scs_entry_jumppad:
0x0: {  	(pc) =	sbr.rel $0x88, $3  }
0x1: {  	(tag) =	ssettag $0x0;
	lr =	simm.s32 $0x1  }
0x2: {  	[smem:$0x3F9F] =	sst lr;
	_ =	strace $0xD0000000  }
0x3: {  	_ = 	snop  }
0x4: {  	_ = 	snop  }
0x5: {  	_ = 	snop  }
0x6: {  	_ = 	snop  }
0x7: {  	_ = 	snop  }
__scs_overlays_trampoline_lowered:
0x8: {  	[smem:$0x3FAE] =	sst s0  }
0x9: {  	[smem:$0x3FAF] =	sst s1  }
0xa: {  	[smem:$0x3FB0] =	sst s2  }
0xb: {  	[smem:$0x3FB1] =	sst s3  }
0xc: {  	[smem:$0x3FB2] =	sst s4  }
0xd: {  	[smem:$0x3FB3] =	sst s5  }
0xe: {  	[smem:$0x3FB4] =	sst s6  }
0xf: {  	[smem:$0x3FB5] =	sst s7  }
0x10: {  	[smem:$0x3FB6] =	sst s8  }
0x11: {  	[smem:$0x3FB7] =	sst s9;
	s0 =	simm.s32 @!p0 $0x0  }
0x12: {  	s1 =	sld [smem:$0x3F9D];
	s0 =	simm.s32 @p0 $0x1  }
0x13: {  	[smem:$0x3FB8] =	sst s0;
	s0 =	simm.s32 @!p1 $0x0  }
0x14: {  	s2 =	sld [smem:$0x3F9C];
	s0 =	simm.s32 @p1 $0x1  }
0x15: {  	[smem:$0x3FB9] =	sst s0;
	s0 =	simm.s32 @!p2 $0x0  }
0x16: {  	s3 =	sld [smem:$0x3FDB];
	s0 =	simm.s32 @p2 $0x1  }
0x17: {  	s4 =	simm.s32 $0x1BF5;
	[smem:$0x3FBB] =	sst s0  }
0x18: {  	s0 =	sld [smem:$0x3F9E];
	_ =	swait.ge [sflag:s4], $0x0  }
0x19: {  	s7 =	sld [smem:$0x3F9F]  }
0x1a: {  	s8 =	sadd.s32 $0xFFFFE003, lr  }
0x1b: {  	s9 =	sadd.s32 $0xFFFFFEF7, lr;
	s5 =	simm.s32 $0xFFFFFFFF;
	p2 =	slt.u32 s8, $0xFFFFF086  }
0x1c: {  	p1 =	slt.u32 s9, $0xF7A;
	s5 =	simm.s32 @!p2 $0x0  }
0x1d: {  	s5 =	simm.s32 @p1 $0x1;
	p0 =	seq.s32 s7, s2  }
0x1e: {  	s7 =	smul.u32 @!p0 $0xF7A, s2;
	p2 =	seq.s32 @!p0 s5, $0x0  }
0x1f: {  	s9 =	smul.u32 $0xF7A, s1;
	s8 =	simm.s32 @!p0 $0x1BF5;
	p2 =	por !p2, p0  }
0x20: {  	[sflag:s8] =	ssyncset.s32 @!p0 $0xFFFFF086;
	s6 =	sadd.s32 @!p0 s3, s7;
	s7 =	simm.s32 @!p0 $0x108  }
0x21: {  	s3 =	sadd.s32 s3, s9;
	s6 =	sadd.s32 @!p0 $0x88, s6;
	s7 =	simm.s32 @p2 $0x1082  }
0x22: {  	[simem:s7], [sflag:s8] =	dma.local @!p0 [hbm:s6], $0xF7A  }
0x23: {  	s9 =	sor.u32 $0xD0000000, s2;
	s6 =	simm.s32 $0x108;
	_ =	swait.ge @!p0 [sflag:s8], $0x0  }
0x24: {  	s3 =	sadd.s32 $0x88, s3;
	s6 =	simm.s32 @!p1 $0x1082;
	[sflag:s4] =	ssyncset.s32 $0xFFFFF086  }
0x25: {  	[simem:s6], [sflag:s4] =	dma.local [hbm:s3], $0xF7A  }
0x26: {  	[smem:$0x3F9F] =	sst s1;
	(tag) =	ssettag s2;
	_ =	strace s9  }
0x27: {  	s1 =	sld [smem:$0x3FAF]  }
0x28: {  	s2 =	sld [smem:$0x3FB0]  }
0x29: {  	s4 =	sld [smem:$0x3FB2]  }
0x2a: {  	p0 =	seq.s32 s5, $0x0;
	s5 =	sld [smem:$0x3FB3]  }
0x2b: {  	s6 =	sld [smem:$0x3FB4]  }
0x2c: {  	s7 =	sld [smem:$0x3FB5]  }
0x2d: {  	s3 =	simm.s32 $0x108;
	s8 =	sld [smem:$0x3FB6]  }
0x2e: {  	s3 =	simm.s32 @!p0 $0x1082;
	s9 =	sld [smem:$0x3FB7]  }
0x2f: {  	lr =	sadd.s32 s0, s3;
	s0 =	sld [smem:$0x3FAE]  }
0x30: {  	s3 =	sld [smem:$0x3FB1]  }
0x31: {  	[smem:$0x3FBA] =	sst s10  }
0x32: {  	s10 =	sld [smem:$0x3FB8];
	_ =	sdelay $0x3  }
0x33: {  	p0 =	seq.s32 s10, $0x1;
	s10 =	sld [smem:$0x3FBA];
	_ =	sdelay $0x3  }
0x34: {  	[smem:$0x3FBA] =	sst s10  }
0x35: {  	s10 =	sld [smem:$0x3FB9];
	_ =	sdelay $0x3  }
0x36: {  	p1 =	seq.s32 s10, $0x1;
	s10 =	sld [smem:$0x3FBA];
	_ =	sdelay $0x3  }
0x37: {  	[smem:$0x3FBA] =	sst s10  }
0x38: {  	s10 =	sld [smem:$0x3FBB]  }
0x39: {  	_ = 	snop;
	(pc) =	sbr.ind lr, $3  }
0x3a: {  	_ = 	snop  }
0x3b: {  	_ = 	snop  }
0x3c: {  	p2 =	seq.s32 s10, $0x1;
	s10 =	sld [smem:$0x3FBA]  }
0x3d: {  	_ =	shalt  }
0x3e: {  	_ =	shalt  }
0x3f: {  	_ =	shalt  }
0x40: {  	_ =	shalt  }
0x41: {  	_ =	shalt  }
0x42: {  	_ =	shalt  }
0x43: {  	_ =	shalt  }
0x44: {  	_ =	shalt  }
0x45: {  	_ =	shalt  }
0x46: {  	_ =	shalt  }
0x47: {  	_ =	shalt  }
0x48: {  	_ =	shalt  }
0x49: {  	_ =	shalt  }
0x4a: {  	_ =	shalt  }
0x4b: {  	_ =	shalt  }
0x4c: {  	_ =	shalt  }
0x4d: {  	_ =	shalt  }
0x4e: {  	_ =	shalt  }
0x4f: {  	_ =	shalt  }
0x50: {  	_ =	shalt  }
0x51: {  	_ =	shalt  }
0x52: {  	_ =	shalt  }
0x53: {  	_ =	shalt  }
0x54: {  	_ =	shalt  }
0x55: {  	_ =	shalt  }
0x56: {  	_ =	shalt  }
0x57: {  	_ =	shalt  }
0x58: {  	_ =	shalt  }
0x59: {  	_ =	shalt  }
0x5a: {  	_ =	shalt  }
0x5b: {  	_ =	shalt  }
0x5c: {  	_ =	shalt  }
0x5d: {  	_ =	shalt  }
0x5e: {  	_ =	shalt  }
0x5f: {  	_ =	shalt  }
0x60: {  	_ =	shalt  }
0x61: {  	_ =	shalt  }
0x62: {  	_ =	shalt  }
0x63: {  	_ =	shalt  }
0x64: {  	_ =	shalt  }
0x65: {  	_ =	shalt  }
0x66: {  	_ =	shalt  }
0x67: {  	_ =	shalt  }
0x68: {  	_ =	shalt  }
0x69: {  	_ =	shalt  }
0x6a: {  	_ =	shalt  }
0x6b: {  	_ =	shalt  }
0x6c: {  	_ =	shalt  }
0x6d: {  	_ =	shalt  }
0x6e: {  	_ =	shalt  }
0x6f: {  	_ =	shalt  }
0x70: {  	_ =	shalt  }
0x71: {  	_ =	shalt  }
0x72: {  	_ =	shalt  }
0x73: {  	_ =	shalt  }
0x74: {  	_ =	shalt  }
0x75: {  	_ =	shalt  }
0x76: {  	_ =	shalt  }
0x77: {  	_ =	shalt  }
0x78: {  	_ =	shalt  }
0x79: {  	_ =	shalt  }
0x7a: {  	_ =	shalt  }
0x7b: {  	_ =	shalt  }
0x7c: {  	_ =	shalt  }
0x7d: {  	_ =	shalt  }
0x7e: {  	_ =	shalt  }
0x7f: {  	_ =	shalt  }
0x80: {  	_ =	shalt  }
0x81: {  	_ =	shalt  }
0x82: {  	_ =	shalt  }
0x83: {  	_ =	shalt  }
0x84: {  	_ =	shalt  }
0x85: {  	_ =	shalt  }
0x86: {  	_ =	shalt  }
0x87: {  	_ =	shalt  }
.Lfunc_end0:
.L_simem_size_0:
called_computation.1_lowered:
.L_overlay_start_0:
0x88: {  	s2 =	sld [smem:$0x3FD9]  }
0x89: {  	s3 =	sld [smem:$0x3FFE];
	_ =	sdelay $0x1  }
0x8a: {  	s1 =	srdreg.scid  }
0x8b: {  	s0 =	sand.u32 $0x1, s1  }
0x8c: {  	s17 =	sshll.u32 s0, $0xA;
	s2 =	sadd.s32 s3, s2  }
0x8d: {  	s2 =	sadd.s32 s2, s17  }
0x8e: {  	[smem:$0x3FC6] =	sst s2  }
0x8f: {  	_ = 	snop  }
0x90: {  	s2 =	sld [smem:$0x3FD0];
	(tm) =	ssettm $0x1  }
0x91: {  	s18 =	sld [smem:$0x3FFB];
	_ =	sdelay $0x3  }
0x92: {  	_ =	strace s18  }
0x93: {  	s3 =	sld [smem:$0x3FFC];
	_ =	sdelay $0x3  }
0x94: {  	_ =	strace s3  }
0x95: {  	s3 =	sld [smem:$0x3FFD];
	_ =	sdelay $0x3  }
0x96: {  	_ =	strace s3  }
0x97: {  	_ =	strace $0x8FFFFFFF  }
0x98: {  	s19 =	sld [smem:$0x3FDB];
	_ =	sdelay $0x1  }
0x99: {  	s4 =	simm.s32 $_scs_section_size  }
0x9a: {  	s5 =	simm.s32 $_size__tile_overlayer_lowered;
	s6 =	simm.s32 $_tile_overlayer_lowered  }
0x9b: {  	s22 =	simm.s32 $0x1BFF;
	s21 =	sshll.u32 s6, $0x1;
	s3 =	sadd.s32 s4, s19  }
0x9c: {  	s7 =	simm.s32 $0x0;
	s20 =	sshll.u32 s5, $0x1;
	s5 =	sadd.s32 s21, s3  }
0x9d: {  	[timem:s7], [sflag:s22] =	dma.local [hbm:s5], s20  }
0x9e: {  	_ =	swait.ge [sflag:s22], s20  }
0x9f: {  	s4 =	ssub.s32 $0x0, s20;
	[sflag:s22] =	ssyncset.done $0x0  }
0xa0: {  	[sflag:s22] =	ssyncadd.s32 s4;
	_ =	sdelay $0x1  }
0xa1: {  	s23 =	simm.s32 $0x1B8B  }
0xa2: {  	_ =	swait.ge [sflag:s23], $0x1  }
0xa3: {  	[sflag:s23] =	ssyncset.done $0x0  }
0xa4: {  	s25 =	simm.s32 $0x1B8E;
	s24 =	sld [smem:$0x3FFE];
	[sflag:s23] =	ssyncadd.s32 $0xFFFFFFFF  }
0xa5: {  	s26 =	simm.s32 $execute0_lowered;
	[smem:$0x3FD2] =	sst s25  }
0xa6: {  	s5 =	sshll.u32 s26, $0x1;
	_ =	strace $0x80000049;
	[dreg:$0x1] =	wrdreg $0xFFFFFFFF  }
0xa7: {  	s28 =	simm.s32 $_size_execute0_lowered;
	s3 =	sadd.s32 s3, s5;
	[dreg:$0x0] =	wrdreg $0x0  }
0xa8: {  	s5 =	sshll.u32 s28, $0x1;
	[dreg:$0x2] =	wrdreg s3  }
0xa9: {  	[dreg:$0x3] =	wrdreg s5  }
0xaa: {  	[dreg:$0x4] =	wrdreg $0xC0  }
0xab: {  	_ =	task [dreg:s7], $0x5FFFF  }
0xac: {  	[dreg:$0x1] =	wrdreg $0xFFFFFFFF  }
0xad: {  	[dreg:$0x0] =	wrdreg $0x60  }
0xae: {  	[dreg:$0x2] =	wrdreg s24  }
0xaf: {  	[dreg:$0x3] =	wrdreg s2  }
0xb0: {  	[dreg:$0x4] =	wrdreg $0x9  }
0xb1: {  	_ =	task.clear_ibuf [dreg:s7], $0x5FFFF;
	_ =	strace $0x90000049  }
0xb2: {  	s29 =	simm.s32 $0x9;
	_ =	strace $0x8000004B  }
0xb3: {  	_ =	swait.ge [sflag:s29], $0x1  }
0xb4: {  	[sflag:s29] =	ssyncadd.s32 $0xFFFFFFFF  }
0xb5: {  	_ =	strace $0x9000004B  }
0xb6: {  	_ =	sfence  }
0xb7: {  	s30 =	sld [smem:$0x0];
	_ =	sdelay $0x2  }
0xb8: {  	s31 =	sshll.u32 s1, $0xD;
	s1 =	sshrl.u32 s1, $0x2  }
0xb9: {  	s3 =	sand.u32 $0x4000, s31;
	s1 =	sadd.s32 s1, s30  }
0xba: {  	s0 =	sor.u32 s3, s0;
	s1 =	sshll.u32 s1, $0x11  }
0xbb: {  	s0 =	sor.u32 s1, s0  }
0xbc: {  	s0 =	sadd.s32 $0x8F2B, s0  }
0xbd: {  	[sflag:s0] =	ssyncadd.remote.s32 $0x1  }
0xbe: {  	_ =	sfence.sel $0xFFFF  }
0xbf: {  	[dreg:$0x0] =	wrdreg $0xFFFFFFFF;
	(pc) =	sbr.abs _section_cstart, $3  }
0xc0: {  	[dreg:$0x1] =	wrdreg $0xFFFFFFFF  }
0xc1: {  	_ =	task.clear_ibuf [dreg:s7], $0x2FFFF;
	_ =	strace $0x9FFFFFFF  }
0xc2: {  	(tm) =	ssettm $0x7FFFFFFF  }
0xc3: {  	_ =	shalt  }
tec
execute0_lowered:
.L_overlay_start_1:
0x0: {  	(tag) =	ssettag $0x1  }
0x1: {  	v0 =	vimm.s32 $0xF80;
	vm0 =	vcmask $0x300;
	v1 =	vimm.s32 $0x2780  }
0x2: {  	vm1 =	vcmask $0x704;
	v0 =	vsel vm0, $0x0, v0;
	v1 =	vsel vm0, $0x1800, v1  }
0x3: {  	s0 =	srdreg.scid;
	s1 =	stileid.u32;
	vm15 =	vcmask $0xB08;
	v0 =	vsel vm1, $0x80, v0;
	v1 =	vsel vm1, $0x1880, v1  }
0x4: {  	vm4 =	vcmask $0xF0C;
	s0 =	sand.u32 $0x1, s0;
	s1 =	sshll.u32 s1, $0x1;
	v0 =	vsel vm15, $0x100, v0;
	v1 =	vsel vm15, $0x1900, v1  }
0x5: {  	s5 =	rddreg [dreg:$0x0];
	vm5 =	vcmask $0x1310;
	s1 =	sor.u32 s0, s1;
	v0 =	vsel vm4, $0x180, v0;
	v1 =	vsel vm4, $0x1980, v1  }
0x6: {  	s2 =	rddreg [dreg:$0x1];
	vm6 =	vcmask $0x1714;
	s11 =	simm.s32 $0x1;
	s3 =	smul.u32 $0xC8000, s1;
	v0 =	vsel vm5, $0x200, v0;
	v1 =	vsel vm5, $0x1A00, v1  }
0x7: {  	vm7 =	vcmask $0x1B18;
	s12 =	simm.s32 $0x4000;
	s0 =	ssub.s32 $0x2, s0;
	s4 =	smul.u32 $0x48000, s1;
	v0 =	vsel vm6, $0x280, v0;
	v1 =	vsel vm6, $0x1A80, v1  }
0x8: {  	vm8 =	vcmask $0x1F1C;
	s30 =	sadd.s32 $0x1200, s5;
	s26 =	sshrl.u32 s0, $0x1;
	s1 =	smul.u32 $0x64, s1;
	v0 =	vsel vm7, $0x300, v0;
	v1 =	vsel vm7, $0x1B00, v1  }
0x9: {  	vm9 =	vcmask $0x2320;
	s0 =	ssub.s32 s0, s26;
	s6 =	sand.u32 $0x1F80000, s3;
	s3 =	simm.s32 $0x0;
	v0 =	vsel vm8, $0x380, v0;
	v1 =	vsel vm8, $0x1B80, v1  }
0xa: {  	vm10 =	vcmask $0x2724;
	s4 =	sand.u32 $0x78000, s4;
	s0 =	smax.u32 s0, $0x1;
	[smem:$0x7FF] =	sst s3;
	v0 =	vsel vm9, $0xC00, v0;
	v1 =	vsel vm9, $0x2400, v1  }
0xb: {  	vm11 =	vcmask $0x2B28;
	s4 =	sor.u32 s4, s6;
	_ =	strace $0x8000004A;
	[dreg:$0x3] =	wrdreg s1;
	v0 =	vsel vm10, $0xC80, v0;
	v1 =	vsel vm10, $0x2480, v1  }
.Ltmp0:
0xc: {  	vm12 =	vcmask $0x2F2C;
	s4 =	sshrl.u32 s4, $0x3;
	[dreg:$0x6] =	wrdreg s0;
	v0 =	vsel vm11, $0xD00, v0;
	v1 =	vsel vm11, $0x2500, v1;
	(pc) =	sbr.rel .LBB2_1-.Ltmp0, $4  }
0xd: {  	vm13 =	vcmask $0x3330;
	s31 =	sadd.s32 $0x1600, s5;
	[dreg:$0x7] =	wrdreg s30;
	s25 =	sadd.s32 s4, s5;
	v0 =	vsel vm12, $0xD80, v0;
	v1 =	vsel vm12, $0x2580, v1  }
0xe: {  	vm14 =	vcmask $0x3734;
	s16 =	simm.s32 $0x2;
	[dreg:$0x8] =	wrdreg s31;
	s28 =	sadd.s32 $0xA00, s25;
	v0 =	vsel vm13, $0xE00, v0;
	v1 =	vsel vm13, $0x2600, v1  }
0xf: {  	s17 =	simm.s32 $0x4;
	vm15 =	vcmask $0x3B38;
	s29 =	sadd.s32 $0xE00, s25;
	[dreg:$0x4] =	wrdreg s28;
	v0 =	vsel vm14, $0xE80, v0;
	v1 =	vsel vm14, $0x2680, v1  }
0x10: {  	s18 =	simm.s32 $0x7000;
	s1 =	simm.s32 $0x0;
	[dreg:$0x5] =	wrdreg s29;
	v0 =	vsel vm15, $0xF00, v0;
	v1 =	vsel vm15, $0x2700, v1  }
.LBB2_12:
0x11: {  	s0 =	simm.s32 $0x3  }
0x12: {  	_ =	swait.ge [sflag:s0], $0x2000  }
0x13: {  	[sflag:s0] =	ssyncset.done $0x0  }
0x14: {  	[sflag:s0] =	ssyncadd.s32 $0xFFFFE000  }
0x15: {  	_ =	swait.ge [sflag:s17], $0x2000  }
0x16: {  	s1 =	rddreg [dreg:$0x9]  }
0x17: {  	s31 =	rddreg [dreg:$0x6];
	s1 =	sadd.s32 $0x1, s1  }
0x18: {  	p0 =	sne.s32 s1, s31  }
.Ltmp1:
0x19: {  	_ = 	snop;
	(pc) =	sbr.rel @!p0 .LBB2_13-.Ltmp1, $3  }
0x1a: {  	_ =	sdelay $0x1  }
0x1b: {  	[sflag:s17] =	ssyncset.done $0x0  }
0x1c: {  	[sflag:s17] =	ssyncadd.s32 $0xFFFFE000  }
.LBB2_1:
0x1d: {  	[dreg:$0x9] =	wrdreg s1  }
0x1e: {  	s0 =	rddreg [dreg:$0x4]  }
0x1f: {  	[tilespmem:s3], [sflag:$0x1] =	stream.linear.gather [hbm4b:s0+s3], $0x2000, $0x38;
	[tilespmem:$0xA000] =	vst v63  }
0x20: {  	s30 =	rddreg [dreg:$0x5];
	s31 =	simm.s32 $0x2000;
	s24 =	simm.s32 $0x0  }
0x21: {  	[tilespmem:s31], [sflag:$0x2] =	stream.linear.gather [hbm4b:s30+s3], $0x2000, $0x38;
	[tilespmem:$0xA000] =	vst v63  }
.LBB2_2:
0x22: {  	s0 =	simm.s32 $0x0;
	s5 =	simm.s32 $0x1  }
0x23: {  	s1 =	simm.s32 $0x2;
	s6 =	simm.s32 $0x3;
	s7 =	simm.s32 $0x5;
	v2 =	vmov s0;
	v4 =	vmov s5  }
0x24: {  	s8 =	simm.s32 $0x6;
	s9 =	simm.s32 $0x7;
	s10 =	simm.s32 $0x8;
	v5 =	vmov s1;
	v6 =	vmov s6;
	v8 =	vmov s7  }
0x25: {  	s13 =	simm.s32 $0x9;
	s14 =	simm.s32 $0xA;
	s15 =	simm.s32 $0xB;
	v9 =	vmov s8;
	v10 =	vmov s9;
	v11 =	vmov s10  }
0x26: {  	s19 =	simm.s32 $0xC;
	s20 =	simm.s32 $0xD;
	s21 =	simm.s32 $0xE;
	v12 =	vmov s13;
	v13 =	vmov s14;
	v14 =	vmov s15  }
0x27: {  	s5 =	simm.s32 $0x4;
	v15 =	vmov s19;
	v16 =	vmov s20;
	v17 =	vmov s21  }
0x28: {  	v3 =	vand.u32 $0x70, v2;
	v2 =	vshll.u32 v2, $0x3;
	v7 =	vmov s5  }
0x29: {  	v18 =	vand.u32 $0x71, v4;
	v19 =	vand.u32 $0x72, v5;
	v20 =	vand.u32 $0x73, v6  }
0x2a: {  	v22 =	vand.u32 $0x75, v8;
	v23 =	vand.u32 $0x76, v9;
	v24 =	vand.u32 $0x77, v10  }
0x2b: {  	v25 =	vand.u32 $0x78, v11;
	v26 =	vand.u32 $0x79, v12;
	v27 =	vand.u32 $0x7A, v13  }
0x2c: {  	v28 =	vand.u32 $0x7B, v14;
	v29 =	vand.u32 $0x7C, v15;
	v30 =	vand.u32 $0x7D, v16  }
0x2d: {  	v31 =	vshll.u32 v4, $0x3;
	v5 =	vshll.u32 v5, $0x3;
	v32 =	vand.u32 $0x7E, v17  }
0x2e: {  	s22 =	simm.s32 $0xF;
	v6 =	vshll.u32 v6, $0x3;
	v8 =	vshll.u32 v8, $0x3;
	v9 =	vshll.u32 v9, $0x3  }
0x2f: {  	_ =	swait.ge [sflag:s11], $0x2000;
	v10 =	vshll.u32 v10, $0x3;
	v4 =	vmov s22;
	v11 =	vshll.u32 v11, $0x3  }
0x30: {  	p0 =	seq.s32 s24, $0x0;
	[sflag:s11] =	ssyncset.done $0x0;
	v12 =	vshll.u32 v12, $0x3;
	v13 =	vshll.u32 v13, $0x3;
	v14 =	vshll.u32 v14, $0x3  }
0x31: {  	s1 =	simm.s32 @!p0 $0x3;
	[sflag:s11] =	ssyncadd.s32 $0xFFFFE000;
	v15 =	vshll.u32 v15, $0x3;
	v17 =	vshll.u32 v17, $0x3;
	v2 =	vand.u32 $0x400, v2  }
0x32: {  	v21 =	vand.u32 $0x74, v7;
	v7 =	vshll.u32 v7, $0x3;
	_ =	swait.ge @!p0 [sflag:s1], $0x2000;
	v33 =	vshll.u32 v4, $0x3  }
0x33: {  	v4 =	vand.u32 $0x7F, v4;
	v8 =	vand.u32 $0x400, v8;
	[sflag:s1] =	ssyncset.done @!p0 $0x0;
	v33 =	vand.u32 $0x400, v33  }
0x34: {  	s26 =	simm.s32 $0x100;
	v10 =	vand.u32 $0x400, v10;
	v11 =	vand.u32 $0x400, v11;
	[sflag:s1] =	ssyncadd.s32 @!p0 $0xFFFFE000;
	v33 =	vor.u32 v4, v33  }
0x35: {  	v4 =	vor.u32 v3, v2;
	v2 =	vand.u32 $0x400, v31;
	v3 =	vld [tilespmem:s26+$0xE0];
	v31 =	vadd.s32 v0, v33  }
0x36: {  	v34 =	vld [tilespmem:s26+$0xFFFFFF00];
	v35 =	vadd.s32 v0, v4;
	v18 =	vor.u32 v18, v2;
	v2 =	vand.u32 $0x400, v5  }
0x37: {  	v5 =	vld [tilespmem:s26+$0xFFFFFF20];
	v36 =	vadd.s32 v0, v18;
	v19 =	vor.u32 v19, v2;
	v2 =	vand.u32 $0x400, v6  }
0x38: {  	v6 =	vld [tilespmem:s26+$0xFFFFFF40];
	v37 =	vadd.s32 v0, v19;
	v20 =	vor.u32 v20, v2;
	v2 =	vand.u32 $0x400, v7  }
0x39: {  	s25 =	simm.s32 $0x1E0;
	v10 =	vor.u32 v24, v10;
	v7 =	vld [tilespmem:s26+$0xFFFFFF60];
	v38 =	vadd.s32 v0, v20;
	v21 =	vor.u32 v21, v2  }
0x3a: {  	s23 =	sor.u32 $0x70, s25;
	v25 =	vor.u32 v25, v11;
	v2 =	vshll.u32 v16, $0x3;
	v16 =	vld [tilespmem:s26+$0xFFFFFF80];
	v39 =	vadd.s32 v0, v21;
	[tilespmem:v31+s12+$0x0] =	vst.idx.msk $0xffff, v3  }
0x3b: {  	[tilespmem:v35+s12+$0x0] =	vst.idx.msk $0xffff, v34;
	v3 =	vor.u32 v22, v8;
	v8 =	vand.u32 $0x400, v9;
	v22 =	vadd.s32 v1, v33;
	v9 =	vld [tilespmem:s23+$0x0]  }
0x3c: {  	v11 =	vand.u32 $0x400, v12;
	[tilespmem:v36+s12+$0x0] =	vst.idx.msk $0xffff, v5;
	v5 =	vld [tilespmem:s26+$0xFFFFFFA0];
	v31 =	vadd.s32 v0, v3;
	v8 =	vor.u32 v23, v8  }
0x3d: {  	v26 =	vor.u32 v26, v11;
	v11 =	vand.u32 $0x400, v13;
	[tilespmem:v37+s12+$0x0] =	vst.idx.msk $0xffff, v6;
	v6 =	vld [tilespmem:s26+$0xFFFFFFC0];
	v23 =	vadd.s32 v0, v8  }
0x3e: {  	v13 =	vld [tilespmem:s26+$0x20];
	v55 =	vadd.s32 v0, v26;
	v56 =	vor.u32 v27, v11;
	v11 =	vand.u32 $0x400, v14;
	[tilespmem:v38+s12+$0x0] =	vst.idx.msk $0xffff, v7  }
0x3f: {  	v24 =	vadd.s32 v0, v10;
	v14 =	vor.u32 v28, v11;
	v11 =	vand.u32 $0x400, v15;
	v7 =	vld [tilespmem:s26+$0xFFFFFFE0];
	[tilespmem:v39+s12+$0x0] =	vst.idx.msk $0xffff, v16  }
0x40: {  	v12 =	vld [tilespmem:s26+$0x0];
	v28 =	vor.u32 v29, v11;
	v2 =	vand.u32 $0x400, v2;
	v16 =	vadd.s32 v0, v25;
	[tilespmem:v22+s12+$0x0] =	vst.idx.msk $0xffff, v9  }
0x41: {  	v29 =	vor.u32 v30, v2;
	v2 =	vand.u32 $0x400, v17;
	[tilespmem:v31+s12+$0x0] =	vst.idx.msk $0xffff, v5;
	v5 =	vld [tilespmem:s26+$0x40];
	v9 =	vadd.s32 v0, v56  }
0x42: {  	v15 =	vadd.s32 v0, v14;
	v31 =	vor.u32 v32, v2;
	[tilespmem:v23+s12+$0x0] =	vst.idx.msk $0xffff, v6;
	v6 =	vld [tilespmem:s26+$0x60]  }
0x43: {  	s31 =	simm.s32 $0x20;
	[tilespmem:v55+s12+$0x0] =	vst.idx.msk $0xffff, v13;
	v13 =	vld [tilespmem:s26+$0xC0];
	v22 =	vadd.s32 v0, v31  }
0x44: {  	s4 =	simm.s32 $0x40;
	s8 =	simm.s32 $0xC0;
	s1 =	sor.u32 $0x30, s31;
	v11 =	vadd.s32 v0, v28;
	[tilespmem:v24+s12+$0x0] =	vst.idx.msk $0xffff, v7;
	v7 =	vld [tilespmem:s26+$0x80]  }
0x45: {  	s9 =	sor.u32 $0x50, s4;
	s4 =	sor.u32 $0x50, s8;
	v27 =	vadd.s32 v1, v18;
	v24 =	vld [tilespmem:s1+$0x0];
	[tilespmem:v16+s12+$0x0] =	vst.idx.msk $0xffff, v12  }
0x46: {  	s13 =	simm.s32 $0x11;
	s10 =	simm.s32 $0x12;
	v8 =	vadd.s32 v1, v8;
	v61 =	vld [tilespmem:s4+$0x0];
	[tilespmem:v9+s12+$0x0] =	vst.idx.msk $0xffff, v5  }
0x47: {  	s6 =	simm.s32 $0x60;
	s15 =	simm.s32 $0x13;
	s19 =	simm.s32 $0x14;
	v57 =	vmov s13;
	v58 =	vmov s10;
	v17 =	vadd.s32 v0, v29;
	v12 =	vld [tilespmem:s26+$0xA0];
	[tilespmem:v15+s12+$0x0] =	vst.idx.msk $0xffff, v6  }
0x48: {  	s21 =	simm.s32 $0x15;
	s14 =	sor.u32 $0x70, s6;
	v59 =	vmov s15;
	v60 =	vmov s19;
	v5 =	vld [tilespmem:s9+$0x0];
	v9 =	vadd.s32 v1, v19;
	[tilespmem:v22+s12+$0x0] =	vst.idx.msk $0xffff, v13  }
0x49: {  	v40 =	vmov s21;
	s21 =	simm.s32 $0x160;
	v62 =	vadd.s32 v1, v25;
	v6 =	vld [tilespmem:s14+$0x0];
	v15 =	vadd.s32 v1, v20;
	[tilespmem:v11+s12+$0x0] =	vst.idx.msk $0xffff, v7  }
0x4a: {  	s7 =	simm.s32 $0xA0;
	v41 =	vadd.s32 v1, v26;
	v26 =	vand.u32 $0x72, v58;
	v30 =	vadd.s32 v1, v21;
	s1 =	sor.u32 $0x70, s21;
	v7 =	vld [tilespmem:s26+$0xFFFFFF90];
	[tilespmem:v27+s12+$0x0] =	vst.idx.msk $0xffff, v24  }
0x4b: {  	s10 =	simm.s32 $0x1B;
	v44 =	vadd.s32 v1, v14;
	v46 =	vadd.s32 v1, v28;
	v28 =	vshll.u32 v40, $0x3;
	s23 =	sor.u32 $0x30, s7;
	s14 =	simm.s32 $0x120;
	[tilespmem:v8+s12+$0x0] =	vst.idx.msk $0xffff, v61;
	v43 =	vld [tilespmem:s1+$0x0]  }
0x4c: {  	s20 =	simm.s32 $0xE0;
	v21 =	vmov s10;
	v34 =	vadd.s32 v1, v56;
	v3 =	vadd.s32 v1, v3;
	s6 =	sor.u32 $0x30, s14;
	[tilespmem:v17+s12+$0x0] =	vst.idx.msk $0xffff, v12;
	v12 =	vld [tilespmem:s23+$0x0]  }
0x4d: {  	s30 =	simm.s32 $0x10;
	s0 =	sor.u32 $0x70, s20;
	v37 =	vshll.u32 v57, $0x3;
	v25 =	vand.u32 $0x71, v57;
	v32 =	vshll.u32 v59, $0x3;
	v63 =	vld [tilespmem:s6+$0x0];
	[tilespmem:v9+s12+$0x0] =	vst.idx.msk $0xffff, v5  }
0x4e: {  	s22 =	simm.s32 $0x16;
	s20 =	simm.s32 $0x140;
	v31 =	vadd.s32 v1, v31;
	v16 =	vmov s30;
	v5 =	vld [tilespmem:s0+$0x0];
	v9 =	vadd.s32 v1, v10;
	[tilespmem:v15+s12+$0x0] =	vst.idx.msk $0xffff, v6  }
0x4f: {  	s8 =	simm.s32 $0x19;
	s30 =	simm.s32 $0x17;
	v2 =	vand.u32 $0x70, v16;
	v23 =	vshll.u32 v16, $0x3;
	v16 =	vmov s22;
	s0 =	sor.u32 $0x50, s20;
	v6 =	vld [tilespmem:s26+$0x10];
	[tilespmem:v30+s12+$0x0] =	vst.idx.msk $0xffff, v7  }
0x50: {  	s13 =	simm.s32 $0x1C;
	s15 =	simm.s32 $0x1D;
	v18 =	vmov s30;
	s9 =	simm.s32 $0x1A;
	v14 =	vand.u32 $0x76, v16;
	v20 =	vmov s8;
	v42 =	vld [tilespmem:s0+$0x0];
	[tilespmem:v44+s12+$0x0] =	vst.idx.msk $0xffff, v43  }
0x51: {  	s19 =	simm.s32 $0x1E;
	s22 =	simm.s32 $0x1A0;
	v19 =	vmov s9;
	v22 =	vmov s13;
	v13 =	vmov s15;
	[tilespmem:v3+s12+$0x0] =	vst.idx.msk $0xffff, v12  }
0x52: {  	s31 =	simm.s32 $0x18;
	v11 =	vmov s19;
	v27 =	vand.u32 $0x400, v23;
	v24 =	vand.u32 $0x73, v59;
	v45 =	vld [tilespmem:s26+$0x90];
	s23 =	simm.s32 $0x1C0;
	s0 =	sor.u32 $0x30, s22;
	[tilespmem:v41+s12+$0x0] =	vst.idx.msk $0xffff, v63  }
0x53: {  	v23 =	vand.u32 $0x74, v60;
	v17 =	vmov s31;
	s1 =	sor.u32 $0x50, s23;
	v30 =	vadd.s32 v1, v29;
	v33 =	vld [tilespmem:s0+$0x0];
	[tilespmem:v9+s12+$0x0] =	vst.idx.msk $0xffff, v5  }
0x54: {  	v8 =	vand.u32 $0x7A, v19;
	v10 =	vand.u32 $0x78, v17;
	v35 =	vld [tilespmem:s1+$0x0];
	v15 =	vand.u32 $0x75, v40;
	[tilespmem:v62+s12+$0x0] =	vst.idx.msk $0xffff, v6  }
0x55: {  	v36 =	vld [tilespmem:s26+$0xFFFFFF10];
	v7 =	vand.u32 $0x79, v20;
	v29 =	vshll.u32 v60, $0x3;
	v9 =	vadd.s32 v1, v4;
	[tilespmem:v34+s12+$0x0] =	vst.idx.msk $0xffff, v42  }
0x56: {  	s30 =	sshll.u32 s24, $0x1;
	v12 =	vand.u32 $0x77, v18;
	v3 =	vand.u32 $0x7D, v13;
	v5 =	vand.u32 $0x7C, v22;
	s31 =	rddreg [dreg:$0x3]  }
0x57: {  	s29 =	simm.s32 $0x20;
	s0 =	simm.s32 $0x1F;
	v4 =	vand.u32 $0x7E, v11;
	v6 =	vand.u32 $0x7B, v21;
	v34 =	vshll.u32 v58, $0x3;
	[tilespmem:v46+s12+$0x0] =	vst.idx.msk $0xffff, v45;
	s28 =	sadd.s32 s31, s30  }
.LBB2_3:
0x58: {  	p1 =	slt.u32 s29, $0xF0;
	v16 =	vshll.u32 v16, $0x3;
	v18 =	vshll.u32 v18, $0x3;
	v38 =	vmov s0;
	[tilespmem:v30+s12+$0x0] =	vst.idx.msk $0xffff, v33  }
0x59: {  	v17 =	vshll.u32 v17, $0x3;
	v20 =	vshll.u32 v20, $0x3;
	v30 =	vshll.u32 v38, $0x3;
	[tilespmem:v31+s12+$0x0] =	vst.idx.msk $0xffff, v35  }
0x5a: {  	v19 =	vshll.u32 v19, $0x3;
	v31 =	vand.u32 $0x7F, v38;
	v30 =	vand.u32 $0x400, v30;
	[tilespmem:v9+s12+$0x0] =	vst.idx.msk $0xffff, v36  }
0x5b: {  	v21 =	vshll.u32 v21, $0x3;
	v22 =	vshll.u32 v22, $0x3;
	s26 =	sadd.s32 $0x200, s26;
	v30 =	vor.u32 v31, v30  }
0x5c: {  	v9 =	vor.u32 v2, v27;
	v2 =	vand.u32 $0x400, v37;
	v27 =	vld [tilespmem:s26+$0xE0];
	v31 =	vadd.s32 v0, v30  }
0x5d: {  	v35 =	vadd.s32 v0, v9;
	v25 =	vor.u32 v25, v2;
	v2 =	vand.u32 $0x400, v34;
	v33 =	vld [tilespmem:s26+$0xFFFFFF00]  }
0x5e: {  	v36 =	vadd.s32 v0, v25;
	v26 =	vor.u32 v26, v2;
	v2 =	vand.u32 $0x400, v32;
	v34 =	vld [tilespmem:s26+$0xFFFFFF20]  }
0x5f: {  	v37 =	vadd.s32 v0, v26;
	v24 =	vor.u32 v24, v2;
	v2 =	vand.u32 $0x400, v29;
	v32 =	vld [tilespmem:s26+$0xFFFFFF40]  }
0x60: {  	s25 =	sadd.s32 $0x200, s25;
	v38 =	vadd.s32 v0, v24;
	v23 =	vor.u32 v23, v2;
	v2 =	vshll.u32 v13, $0x3;
	v29 =	vld [tilespmem:s26+$0xFFFFFF60]  }
0x61: {  	v28 =	vand.u32 $0x400, v28;
	v11 =	vshll.u32 v11, $0x3;
	s0 =	sadd.s32 $0xFFFFFE40, s25;
	s1 =	sadd.s32 $0xFFFFFE60, s25;
	s5 =	sor.u32 $0x70, s25;
	v39 =	vadd.s32 v0, v23;
	v13 =	vld [tilespmem:s26+$0xFFFFFF80];
	[tilespmem:v31+s12+$0x0] =	vst.idx.msk $0xffff, v27  }
0x62: {  	s6 =	sadd.s32 $0xFFFFFE80, s25;
	s7 =	sadd.s32 $0xFFFFFEC0, s25;
	v15 =	vor.u32 v15, v28;
	s13 =	sadd.s32 $0xFFFFFEE0, s25;
	v16 =	vand.u32 $0x400, v16;
	v28 =	vadd.s32 v1, v30;
	[tilespmem:v35+s12+$0x0] =	vst.idx.msk $0xffff, v33;
	v27 =	vld [tilespmem:s5+$0x0]  }
0x63: {  	s30 =	sadd.s32 $0xFFFFFF40, s25;
	s31 =	sadd.s32 $0xFFFFFF60, s25;
	v14 =	vor.u32 v14, v16;
	v16 =	vand.u32 $0x400, v18;
	v31 =	vadd.s32 v0, v15;
	s5 =	sadd.s32 $0xFFFFFF00, s25;
	[tilespmem:v36+s12+$0x0] =	vst.idx.msk $0xffff, v34;
	v30 =	vld [tilespmem:s26+$0xFFFFFFA0]  }
0x64: {  	s14 =	sadd.s32 $0xFFFFFF80, s25;
	s15 =	sadd.s32 $0xFFFFFFC0, s25;
	s19 =	sadd.s32 $0xFFFFFFE0, s25;
	v12 =	vor.u32 v12, v16;
	v16 =	vand.u32 $0x400, v17;
	[tilespmem:v37+s12+$0x0] =	vst.idx.msk $0xffff, v32;
	v18 =	vld [tilespmem:s26+$0xFFFFFFC0];
	v32 =	vadd.s32 v0, v14  }
0x65: {  	s20 =	sor.u32 $0x30, s0;
	s10 =	sor.u32 $0x50, s1;
	s8 =	sor.u32 $0x70, s6;
	v10 =	vor.u32 v10, v16;
	v16 =	vand.u32 $0x400, v20;
	[tilespmem:v38+s12+$0x0] =	vst.idx.msk $0xffff, v29;
	v17 =	vld [tilespmem:s26+$0xFFFFFFE0];
	v29 =	vadd.s32 v0, v12  }
0x66: {  	s23 =	sor.u32 $0x30, s7;
	s22 =	sor.u32 $0x50, s13;
	v20 =	vadd.s32 v0, v10;
	v7 =	vor.u32 v7, v16;
	v16 =	vand.u32 $0x400, v19;
	s7 =	sor.u32 $0x70, s5;
	[tilespmem:v39+s12+$0x0] =	vst.idx.msk $0xffff, v13;
	v13 =	vld [tilespmem:s26+$0x0]  }
0x67: {  	s6 =	sor.u32 $0x30, s30;
	s0 =	sor.u32 $0x70, s14;
	v8 =	vor.u32 v8, v16;
	v16 =	vand.u32 $0x400, v21;
	v33 =	vadd.s32 v0, v7;
	s5 =	sor.u32 $0x50, s31;
	v19 =	vld [tilespmem:s26+$0x20];
	[tilespmem:v28+s12+$0x0] =	vst.idx.msk $0xffff, v27  }
0x68: {  	s1 =	sor.u32 $0x30, s15;
	s30 =	sor.u32 $0x50, s19;
	v6 =	vor.u32 v6, v16;
	v16 =	vand.u32 $0x400, v22;
	v27 =	vadd.s32 v0, v8;
	[tilespmem:v31+s12+$0x0] =	vst.idx.msk $0xffff, v30;
	v21 =	vld [tilespmem:s26+$0x40]  }
0x69: {  	v2 =	vand.u32 $0x400, v2;
	v22 =	vadd.s32 v0, v6;
	v5 =	vor.u32 v5, v16;
	[tilespmem:v32+s12+$0x0] =	vst.idx.msk $0xffff, v18;
	v18 =	vld [tilespmem:s26+$0x60]  }
0x6a: {  	v3 =	vor.u32 v3, v2;
	v2 =	vand.u32 $0x400, v11;
	[tilespmem:v29+s12+$0x0] =	vst.idx.msk $0xffff, v17;
	v16 =	vld [tilespmem:s26+$0x80];
	v17 =	vadd.s32 v0, v5  }
0x6b: {  	v4 =	vor.u32 v4, v2;
	[tilespmem:v20+s12+$0x0] =	vst.idx.msk $0xffff, v13;
	v11 =	vld [tilespmem:s26+$0xA0];
	v13 =	vadd.s32 v0, v3  }
0x6c: {  	v28 =	vadd.s32 v0, v4;
	v20 =	vmov s29;
	[tilespmem:v33+s12+$0x0] =	vst.idx.msk $0xffff, v19;
	v19 =	vld [tilespmem:s26+$0xC0]  }
0x6d: {  	s13 =	sadd.s32 $0x1, s29;
	s14 =	sadd.s32 $0x2, s29;
	v25 =	vadd.s32 v1, v25;
	v2 =	vand.u32 $0x70, v20;
	v29 =	vshll.u32 v20, $0x3;
	v30 =	vld [tilespmem:s20+$0x0];
	[tilespmem:v27+s12+$0x0] =	vst.idx.msk $0xffff, v21  }
0x6e: {  	v26 =	vadd.s32 v1, v26;
	v34 =	vmov s14;
	s14 =	sadd.s32 $0x4, s29;
	v32 =	vmov s13;
	s13 =	sadd.s32 $0x3, s29;
	v27 =	vld [tilespmem:s10+$0x0];
	[tilespmem:v22+s12+$0x0] =	vst.idx.msk $0xffff, v18  }
0x6f: {  	v24 =	vadd.s32 v1, v24;
	v39 =	vmov s14;
	v38 =	vmov s13;
	s13 =	sadd.s32 $0x6, s29;
	s10 =	sadd.s32 $0x5, s29;
	v31 =	vld [tilespmem:s8+$0x0];
	[tilespmem:v17+s12+$0x0] =	vst.idx.msk $0xffff, v16  }
0x70: {  	v23 =	vadd.s32 v1, v23;
	v40 =	vmov s10;
	v16 =	vmov s13;
	s8 =	sadd.s32 $0x7, s29;
	s10 =	sadd.s32 $0x8, s29;
	v33 =	vld [tilespmem:s26+$0xFFFFFF90];
	[tilespmem:v13+s12+$0x0] =	vst.idx.msk $0xffff, v11  }
0x71: {  	v15 =	vadd.s32 v1, v15;
	v18 =	vmov s8;
	v17 =	vmov s10;
	s8 =	sadd.s32 $0x9, s29;
	s10 =	sadd.s32 $0xA, s29;
	v35 =	vld [tilespmem:s23+$0x0];
	[tilespmem:v28+s12+$0x0] =	vst.idx.msk $0xffff, v19  }
0x72: {  	v14 =	vadd.s32 v1, v14;
	v20 =	vmov s8;
	v19 =	vmov s10;
	s8 =	sadd.s32 $0xB, s29;
	s10 =	sadd.s32 $0xC, s29;
	[tilespmem:v25+s12+$0x0] =	vst.idx.msk $0xffff, v30;
	v28 =	vld [tilespmem:s22+$0x0]  }
0x73: {  	v36 =	vadd.s32 v1, v12;
	v21 =	vmov s8;
	v22 =	vmov s10;
	s8 =	sadd.s32 $0xD, s29;
	s10 =	sadd.s32 $0xE, s29;
	[tilespmem:v26+s12+$0x0] =	vst.idx.msk $0xffff, v27;
	v30 =	vld [tilespmem:s7+$0x0]  }
0x74: {  	v37 =	vadd.s32 v1, v10;
	v13 =	vmov s8;
	v11 =	vmov s10;
	[tilespmem:v24+s12+$0x0] =	vst.idx.msk $0xffff, v31;
	v31 =	vld [tilespmem:s26+$0x10]  }
0x75: {  	v41 =	vadd.s32 v1, v7;
	v25 =	vand.u32 $0x71, v32;
	v27 =	vand.u32 $0x400, v29;
	[tilespmem:v23+s12+$0x0] =	vst.idx.msk $0xffff, v33;
	v29 =	vld [tilespmem:s6+$0x0]  }
0x76: {  	v43 =	vadd.s32 v1, v8;
	v26 =	vand.u32 $0x72, v34;
	v24 =	vand.u32 $0x73, v38;
	[tilespmem:v15+s12+$0x0] =	vst.idx.msk $0xffff, v35;
	v42 =	vld [tilespmem:s5+$0x0]  }
0x77: {  	v44 =	vadd.s32 v1, v6;
	v23 =	vand.u32 $0x74, v39;
	v15 =	vand.u32 $0x75, v40;
	[tilespmem:v14+s12+$0x0] =	vst.idx.msk $0xffff, v28;
	v28 =	vld [tilespmem:s0+$0x0]  }
0x78: {  	v46 =	vadd.s32 v1, v5;
	v12 =	vand.u32 $0x77, v18;
	v14 =	vand.u32 $0x76, v16;
	[tilespmem:v36+s12+$0x0] =	vst.idx.msk $0xffff, v30;
	v45 =	vld [tilespmem:s26+$0x90]  }
.Ltmp2:
0x79: {  	v10 =	vand.u32 $0x78, v17;
	v7 =	vand.u32 $0x79, v20;
	v30 =	vadd.s32 v1, v3;
	[tilespmem:v37+s12+$0x0] =	vst.idx.msk $0xffff, v31;
	v33 =	vld [tilespmem:s1+$0x0];
	(pc) =	sbr.rel @p1 .LBB2_3-.Ltmp2, $4  }
0x7a: {  	v8 =	vand.u32 $0x7A, v19;
	v6 =	vand.u32 $0x7B, v21;
	v31 =	vadd.s32 v1, v4;
	[tilespmem:v41+s12+$0x0] =	vst.idx.msk $0xffff, v29;
	v35 =	vld [tilespmem:s30+$0x0]  }
0x7b: {  	v9 =	vadd.s32 v1, v9;
	v5 =	vand.u32 $0x7C, v22;
	v3 =	vand.u32 $0x7D, v13;
	v36 =	vld [tilespmem:s26+$0xFFFFFF10];
	[tilespmem:v43+s12+$0x0] =	vst.idx.msk $0xffff, v42  }
0x7c: {  	v34 =	vshll.u32 v34, $0x3;
	v37 =	vshll.u32 v32, $0x3;
	v4 =	vand.u32 $0x7E, v11;
	[tilespmem:v44+s12+$0x0] =	vst.idx.msk $0xffff, v28  }
0x7d: {  	s0 =	sadd.s32 $0xF, s29;
	s29 =	sadd.s32 $0x10, s29;
	v32 =	vshll.u32 v38, $0x3;
	v29 =	vshll.u32 v39, $0x3;
	v28 =	vshll.u32 v40, $0x3;
	[tilespmem:v46+s12+$0x0] =	vst.idx.msk $0xffff, v45  }
0x7e: {  	v16 =	vshll.u32 v16, $0x3  }
0x7f: {  	v18 =	vshll.u32 v18, $0x3;
	v38 =	vmov s0;
	v17 =	vshll.u32 v17, $0x3  }
0x80: {  	v19 =	vshll.u32 v19, $0x3;
	v21 =	vshll.u32 v21, $0x3;
	v2 =	vor.u32 v2, v27  }
0x81: {  	v62 =	vand.u32 $0x400, v37;
	v34 =	vand.u32 $0x400, v34;
	v32 =	vand.u32 $0x400, v32  }
0x82: {  	s26 =	sadd.s32 $0x200, s26;
	v29 =	vand.u32 $0x400, v29;
	v13 =	vshll.u32 v13, $0x3;
	v28 =	vand.u32 $0x400, v28  }
0x83: {  	v39 =	vshll.u32 v38, $0x3;
	v40 =	vld [tilespmem:s26+$0xFFFFFF00];
	v25 =	vor.u32 v25, v62;
	v41 =	vadd.s32 v0, v2  }
0x84: {  	[tilespmem:v30+s12+$0x0] =	vst.idx.msk $0xffff, v33;
	v38 =	vand.u32 $0x7F, v38;
	v42 =	vld [tilespmem:s26+$0xFFFFFF20];
	v26 =	vor.u32 v26, v34;
	v43 =	vadd.s32 v0, v25  }
0x85: {  	v44 =	vld [tilespmem:s26+$0xFFFFFF40];
	v24 =	vor.u32 v24, v32;
	v23 =	vor.u32 v23, v29;
	v34 =	vadd.s32 v0, v26  }
0x86: {  	[tilespmem:v31+s12+$0x0] =	vst.idx.msk $0xffff, v35;
	v45 =	vld [tilespmem:s26+$0xFFFFFF60];
	v15 =	vor.u32 v15, v28;
	v16 =	vand.u32 $0x400, v16;
	v32 =	vadd.s32 v0, v24  }
0x87: {  	v46 =	vld [tilespmem:s26+$0xFFFFFF80];
	v52 =	vand.u32 $0x400, v18;
	[tilespmem:v9+s12+$0x0] =	vst.idx.msk $0xffff, v36;
	v47 =	vadd.s32 v0, v23;
	v51 =	vadd.s32 v0, v15  }
0x88: {  	v50 =	vld [tilespmem:s26+$0xFFFFFFA0];
	v55 =	vand.u32 $0x400, v17;
	v14 =	vor.u32 v14, v16;
	v12 =	vor.u32 v12, v52;
	[tilespmem:v41+s12+$0x0] =	vst.idx.msk $0xffff, v40  }
0x89: {  	v53 =	vld [tilespmem:s26+$0xFFFFFFC0];
	v61 =	vand.u32 $0x400, v19;
	v10 =	vor.u32 v10, v55;
	v54 =	vadd.s32 v0, v14;
	[tilespmem:v43+s12+$0x0] =	vst.idx.msk $0xffff, v42  }
0x8a: {  	v56 =	vld [tilespmem:s26+$0xFFFFFFE0];
	v39 =	vand.u32 $0x400, v39;
	v8 =	vor.u32 v8, v61;
	v57 =	vadd.s32 v0, v12;
	[tilespmem:v34+s12+$0x0] =	vst.idx.msk $0xffff, v44  }
0x8b: {  	v59 =	vld [tilespmem:s26+$0x0];
	v36 =	vand.u32 $0x400, v21;
	v38 =	vor.u32 v38, v39;
	v60 =	vadd.s32 v0, v10;
	[tilespmem:v32+s12+$0x0] =	vst.idx.msk $0xffff, v45  }
0x8c: {  	v11 =	vshll.u32 v11, $0x3;
	v63 =	vld [tilespmem:s26+$0xE0];
	v6 =	vor.u32 v6, v36;
	v39 =	vadd.s32 v0, v38;
	[tilespmem:v47+s12+$0x0] =	vst.idx.msk $0xffff, v46  }
0x8d: {  	v37 =	vld [tilespmem:s26+$0x40];
	v13 =	vand.u32 $0x400, v13;
	v49 =	vadd.s32 v1, v38;
	v38 =	vadd.s32 v0, v8;
	[tilespmem:v51+s12+$0x0] =	vst.idx.msk $0xffff, v50  }
0x8e: {  	v11 =	vand.u32 $0x400, v11;
	v3 =	vor.u32 v3, v13;
	v40 =	vld [tilespmem:s26+$0x60];
	v41 =	vadd.s32 v0, v6;
	[tilespmem:v54+s12+$0x0] =	vst.idx.msk $0xffff, v53  }
0x8f: {  	v20 =	vshll.u32 v20, $0x3;
	v4 =	vor.u32 v4, v11;
	v43 =	vld [tilespmem:s26+$0xA0];
	v44 =	vadd.s32 v0, v3;
	[tilespmem:v57+s12+$0x0] =	vst.idx.msk $0xffff, v56  }
0x90: {  	s31 =	sadd.s32 $0x200, s25;
	v58 =	vand.u32 $0x400, v20;
	v45 =	vld [tilespmem:s26+$0xC0];
	v46 =	vadd.s32 v0, v4;
	[tilespmem:v60+s12+$0x0] =	vst.idx.msk $0xffff, v59  }
0x91: {  	s9 =	sadd.s32 $0xFFFFFF00, s31;
	v7 =	vor.u32 v7, v58;
	v52 =	vadd.s32 v1, v23;
	v51 =	vld [tilespmem:s26+$0xFFFFFF90];
	[tilespmem:v39+s12+$0x0] =	vst.idx.msk $0xffff, v63  }
0x92: {  	v62 =	vld [tilespmem:s26+$0x20];
	s10 =	sor.u32 $0x70, s9;
	v63 =	vadd.s32 v0, v7;
	[tilespmem:v38+s12+$0x0] =	vst.idx.msk $0xffff, v37  }
0x93: {  	v22 =	vshll.u32 v22, $0x3;
	v12 =	vadd.s32 v1, v12;
	v55 =	vld [tilespmem:s10+$0x0];
	[tilespmem:v41+s12+$0x0] =	vst.idx.msk $0xffff, v40  }
0x94: {  	s1 =	sor.u32 $0x70, s31;
	v10 =	vadd.s32 v1, v10;
	v39 =	vand.u32 $0x400, v22;
	v56 =	vld [tilespmem:s26+$0x10];
	[tilespmem:v44+s12+$0x0] =	vst.idx.msk $0xffff, v43  }
0x95: {  	s4 =	sadd.s32 $0xFFFFFE40, s31;
	v48 =	vld [tilespmem:s1+$0x0];
	v5 =	vor.u32 v5, v39;
	[tilespmem:v46+s12+$0x0] =	vst.idx.msk $0xffff, v45  }
0x96: {  	s8 =	sadd.s32 $0xFFFFFEE0, s31;
	v42 =	vld [tilespmem:s26+$0x80];
	s1 =	sor.u32 $0x30, s4;
	v16 =	vadd.s32 v0, v5;
	[tilespmem:v52+s12+$0x0] =	vst.idx.msk $0xffff, v51  }
0x97: {  	s15 =	sadd.s32 $0xFFFFFF80, s31;
	v25 =	vadd.s32 v1, v25;
	v47 =	vld [tilespmem:s1+$0x0];
	s1 =	sor.u32 $0x50, s8;
	[tilespmem:v63+s12+$0x0] =	vst.idx.msk $0xffff, v62  }
0x98: {  	s20 =	sadd.s32 $0xFFFFFFC0, s31;
	s19 =	sor.u32 $0x70, s15;
	v14 =	vadd.s32 v1, v14;
	v54 =	vld [tilespmem:s1+$0x0];
	[tilespmem:v12+s12+$0x0] =	vst.idx.msk $0xffff, v55  }
0x99: {  	s0 =	sadd.s32 $0xFFFFFFE0, s31;
	s21 =	sor.u32 $0x30, s20;
	v6 =	vadd.s32 v1, v6;
	v59 =	vld [tilespmem:s19+$0x0];
	[tilespmem:v10+s12+$0x0] =	vst.idx.msk $0xffff, v56  }
0x9a: {  	s0 =	sor.u32 $0x50, s0;
	v3 =	vadd.s32 v1, v3;
	v61 =	vld [tilespmem:s21+$0x0];
	[tilespmem:v49+s12+$0x0] =	vst.idx.msk $0xffff, v48  }
0x9b: {  	s5 =	sadd.s32 $0xFFFFFE60, s31;
	v4 =	vadd.s32 v1, v4;
	v62 =	vld [tilespmem:s0+$0x0];
	[tilespmem:v16+s12+$0x0] =	vst.idx.msk $0xffff, v42  }
0x9c: {  	s6 =	sadd.s32 $0xFFFFFE80, s31;
	v2 =	vadd.s32 v1, v2;
	s5 =	sor.u32 $0x50, s5;
	v63 =	vld [tilespmem:s26+$0xFFFFFF10];
	[tilespmem:v25+s12+$0x0] =	vst.idx.msk $0xffff, v47  }
0x9d: {  	s13 =	sadd.s32 $0xFFFFFF40, s31;
	s6 =	sor.u32 $0x70, s6;
	v26 =	vadd.s32 v1, v26;
	v48 =	vld [tilespmem:s5+$0x0];
	[tilespmem:v14+s12+$0x0] =	vst.idx.msk $0xffff, v54  }
0x9e: {  	s7 =	sadd.s32 $0xFFFFFEC0, s31;
	v50 =	vadd.s32 v1, v24;
	s1 =	sor.u32 $0x30, s13;
	v49 =	vld [tilespmem:s6+$0x0];
	[tilespmem:v6+s12+$0x0] =	vst.idx.msk $0xffff, v59  }
0x9f: {  	s14 =	sadd.s32 $0xFFFFFF60, s31;
	v7 =	vadd.s32 v1, v7;
	s5 =	sor.u32 $0x30, s7;
	v57 =	vld [tilespmem:s1+$0x0];
	[tilespmem:v3+s12+$0x0] =	vst.idx.msk $0xffff, v61  }
0xa0: {  	v15 =	vadd.s32 v1, v15;
	v53 =	vld [tilespmem:s5+$0x0];
	s5 =	sor.u32 $0x50, s14;
	[tilespmem:v4+s12+$0x0] =	vst.idx.msk $0xffff, v62  }
0xa1: {  	v8 =	vadd.s32 v1, v8;
	v58 =	vld [tilespmem:s5+$0x0];
	[tilespmem:v2+s12+$0x0] =	vst.idx.msk $0xffff, v63  }
0xa2: {  	v5 =	vadd.s32 v1, v5;
	v60 =	vld [tilespmem:s26+$0x90];
	[tilespmem:v26+s12+$0x0] =	vst.idx.msk $0xffff, v48  }
0xa3: {  	[tilespmem:v50+s12+$0x0] =	vst.idx.msk $0xffff, v49  }
0xa4: {  	s22 =	sshll.u32 s28, $0x8;
	[tilespmem:v7+s12+$0x0] =	vst.idx.msk $0xffff, v57  }
0xa5: {  	s25 =	sshll.u32 s28, $0xA;
	s26 =	sand.u32 $0x3E00, s22;
	[tilespmem:v15+s12+$0x0] =	vst.idx.msk $0xffff, v53  }
0xa6: {  	s28 =	sand.u32 $0xFFF0000, s25;
	s0 =	sadd.s32 s2, s26;
	[tilespmem:v8+s12+$0x0] =	vst.idx.msk $0xffff, v58  }
0xa7: {  	s0 =	sadd.s32 s28, s0;
	[tilespmem:v5+s12+$0x0] =	vst.idx.msk $0xffff, v60  }
0xa8: {  	[hbm4b:s0+s3] =	stream.linear.scatter [tilespmem:s12], [sflag:$0x3], $0x800, $0x38;
	[tilespmem:$0xA000] =	vst v63  }
0xa9: {  	p1 =	sne.s32 s24, $0x31;
	s4 =	simm.s32 $0x4C00;
	s23 =	sadd.s32 $0x4000, s0  }
0xaa: {  	[hbm4b:s23+s3] =	stream.linear.scatter [tilespmem:s4], [sflag:$0x3], $0x800, $0x38;
	[tilespmem:$0xA000] =	vst v63  }
.Ltmp3:
0xab: {  	_ = 	snop;
	(pc) =	sbr.rel @p1 .LBB2_6-.Ltmp3, $4  }
0xac: {  	s30 =	simm.s32 $0x5800;
	s29 =	sadd.s32 $0x8000, s0  }
0xad: {  	[hbm4b:s29+s3] =	stream.linear.scatter [tilespmem:s30], [sflag:$0x3], $0x800, $0x38;
	[tilespmem:$0xA000] =	vst v63  }
0xae: {  	s31 =	simm.s32 $0x6400;
	s0 =	sadd.s32 $0xC000, s0  }
0xaf: {  	[hbm4b:s0+s3] =	stream.linear.scatter [tilespmem:s31], [sflag:$0x3], $0x800, $0x38;
	[tilespmem:$0xA000] =	vst v63  }
.Ltmp4:
0xb0: {  	(pc) =	sbr.rel .LBB2_7-.Ltmp4, $4  }
0xb1: {  	_ = 	snop  }
0xb2: {  	_ =	swait.ge [sflag:s16], $0x2000  }
0xb3: {  	[sflag:s16] =	ssyncset.done $0x0  }
0xb4: {  	[sflag:s16] =	ssyncadd.s32 $0xFFFFE000  }
.LBB2_6:
0xb5: {  	s0 =	rddreg [dreg:$0x7]  }
.Ltmp5:
0xb6: {  	s0 =	sadd.s32 s0, s25;
	(pc) =	sbr.rel @p0 .LBB2_8-.Ltmp5, $4  }
0xb7: {  	[tilespmem:s3], [sflag:$0x1] =	stream.linear.gather [hbm4b:s0+s3], $0x2000, $0x38;
	[tilespmem:$0xA000] =	vst v63  }
0xb8: {  	_ =	swait.ge [sflag:s16], $0x2000  }
0xb9: {  	[sflag:s16] =	ssyncset.done $0x0  }
0xba: {  	[sflag:s16] =	ssyncadd.s32 $0xFFFFE000  }
.LBB2_7:
0xbb: {  	_ =	swait.ge [sflag:s17], $0x2000  }
0xbc: {  	[sflag:s17] =	ssyncset.done $0x0  }
0xbd: {  	[sflag:s17] =	ssyncadd.s32 $0xFFFFE000  }
.LBB2_8:
0xbe: {  	s4 =	smov.u32 s2;
	s0 =	simm.s32 $0x0  }
0xbf: {  	s20 =	simm.s32 $0x1;
	s1 =	simm.s32 $0x2;
	s21 =	simm.s32 $0x3;
	v2 =	vmov s0  }
0xc0: {  	s5 =	simm.s32 $0x4;
	s22 =	simm.s32 $0x5;
	s23 =	simm.s32 $0x6;
	v4 =	vmov s20;
	v5 =	vmov s1;
	v6 =	vmov s21  }
0xc1: {  	s2 =	simm.s32 $0x7;
	s6 =	simm.s32 $0x8;
	s7 =	simm.s32 $0x9;
	v7 =	vmov s5;
	v8 =	vmov s22;
	v9 =	vmov s23  }
0xc2: {  	s8 =	simm.s32 $0xA;
	s9 =	simm.s32 $0xB;
	s10 =	simm.s32 $0xC;
	v10 =	vmov s2;
	v11 =	vmov s6;
	v12 =	vmov s7  }
0xc3: {  	s13 =	simm.s32 $0xD;
	s14 =	simm.s32 $0xE;
	v13 =	vmov s8;
	v14 =	vmov s9;
	v15 =	vmov s10  }
0xc4: {  	v16 =	vmov s13;
	v17 =	vmov s14;
	v3 =	vand.u32 $0x70, v2  }
0xc5: {  	v2 =	vshll.u32 v2, $0x3;
	v18 =	vand.u32 $0x71, v4;
	v19 =	vand.u32 $0x72, v5  }
0xc6: {  	v20 =	vand.u32 $0x73, v6;
	v21 =	vand.u32 $0x74, v7;
	v22 =	vand.u32 $0x75, v8  }
0xc7: {  	v23 =	vand.u32 $0x76, v9;
	v24 =	vand.u32 $0x77, v10;
	v25 =	vand.u32 $0x78, v11  }
0xc8: {  	v26 =	vand.u32 $0x79, v12;
	v27 =	vand.u32 $0x7A, v13;
	v28 =	vand.u32 $0x7B, v14  }
0xc9: {  	v29 =	vand.u32 $0x7C, v15;
	v30 =	vand.u32 $0x7D, v16;
	v31 =	vshll.u32 v4, $0x3  }
0xca: {  	v5 =	vshll.u32 v5, $0x3;
	v32 =	vand.u32 $0x7E, v17;
	v6 =	vshll.u32 v6, $0x3  }
0xcb: {  	s15 =	simm.s32 $0xF;
	v7 =	vshll.u32 v7, $0x3;
	v8 =	vshll.u32 v8, $0x3;
	v9 =	vshll.u32 v9, $0x3  }
0xcc: {  	v10 =	vshll.u32 v10, $0x3;
	v4 =	vmov s15;
	v11 =	vshll.u32 v11, $0x3  }
0xcd: {  	v12 =	vshll.u32 v12, $0x3;
	v13 =	vshll.u32 v13, $0x3;
	v14 =	vshll.u32 v14, $0x3  }
0xce: {  	v15 =	vshll.u32 v15, $0x3;
	v2 =	vand.u32 $0x400, v2;
	v33 =	vshll.u32 v4, $0x3  }
0xcf: {  	v4 =	vand.u32 $0x7F, v4;
	v11 =	vand.u32 $0x400, v11;
	v33 =	vand.u32 $0x400, v33  }
0xd0: {  	s30 =	simm.s32 $0x2100;
	v25 =	vor.u32 v25, v11;
	v11 =	vand.u32 $0x400, v12;
	v33 =	vor.u32 v4, v33  }
0xd1: {  	v4 =	vor.u32 v3, v2;
	v2 =	vand.u32 $0x400, v31;
	v3 =	vld [tilespmem:s30+$0xE0];
	v31 =	vadd.s32 v0, v33  }
0xd2: {  	v34 =	vld [tilespmem:s30+$0xFFFFFF00];
	v26 =	vor.u32 v26, v11;
	v11 =	vand.u32 $0x400, v13;
	v35 =	vadd.s32 v0, v4  }
0xd3: {  	v13 =	vld [tilespmem:s30+$0x20];
	v18 =	vor.u32 v18, v2;
	v2 =	vand.u32 $0x400, v5;
	v55 =	vadd.s32 v0, v26  }
0xd4: {  	v5 =	vld [tilespmem:s30+$0xFFFFFF20];
	v36 =	vadd.s32 v0, v18;
	v19 =	vor.u32 v19, v2;
	v2 =	vand.u32 $0x400, v6  }
0xd5: {  	s14 =	simm.s32 $0x14;
	v6 =	vld [tilespmem:s30+$0xFFFFFF40];
	v37 =	vadd.s32 v0, v19;
	v20 =	vor.u32 v20, v2;
	v2 =	vand.u32 $0x400, v7  }
0xd6: {  	s29 =	simm.s32 $0x1E0;
	v60 =	vmov s14;
	v7 =	vld [tilespmem:s30+$0xFFFFFF60];
	v38 =	vadd.s32 v0, v20;
	v21 =	vor.u32 v21, v2;
	[tilespmem:v31+s18+$0x0] =	vst.idx.msk $0xffff, v3  }
0xd7: {  	s19 =	sor.u32 $0x70, s29;
	v8 =	vand.u32 $0x400, v8;
	v2 =	vshll.u32 v16, $0x3;
	v16 =	vld [tilespmem:s30+$0xFFFFFF80];
	v39 =	vadd.s32 v0, v21;
	[tilespmem:v35+s18+$0x0] =	vst.idx.msk $0xffff, v34  }
0xd8: {  	v3 =	vor.u32 v22, v8;
	v8 =	vand.u32 $0x400, v9;
	v22 =	vadd.s32 v1, v33;
	[tilespmem:v55+s18+$0x0] =	vst.idx.msk $0xffff, v13;
	v9 =	vld [tilespmem:s19+$0x2000]  }
0xd9: {  	s6 =	simm.s32 $0x60;
	s14 =	simm.s32 $0x120;
	v10 =	vand.u32 $0x400, v10;
	[tilespmem:v36+s18+$0x0] =	vst.idx.msk $0xffff, v5;
	v5 =	vld [tilespmem:s30+$0xFFFFFFA0];
	v31 =	vadd.s32 v0, v3;
	v8 =	vor.u32 v23, v8  }
0xda: {  	v17 =	vshll.u32 v17, $0x3;
	s9 =	sor.u32 $0x70, s6;
	s6 =	sor.u32 $0x30, s14;
	v10 =	vor.u32 v24, v10;
	[tilespmem:v37+s18+$0x0] =	vst.idx.msk $0xffff, v6;
	v6 =	vld [tilespmem:s30+$0xFFFFFFC0];
	v23 =	vadd.s32 v0, v8  }
0xdb: {  	v56 =	vor.u32 v27, v11;
	v11 =	vand.u32 $0x400, v14;
	v41 =	vadd.s32 v1, v26;
	v63 =	vld [tilespmem:s6+$0x2000];
	[tilespmem:v38+s18+$0x0] =	vst.idx.msk $0xffff, v7  }
0xdc: {  	v24 =	vadd.s32 v0, v10;
	v14 =	vor.u32 v28, v11;
	v11 =	vand.u32 $0x400, v15;
	v7 =	vld [tilespmem:s30+$0xFFFFFFE0];
	[tilespmem:v39+s18+$0x0] =	vst.idx.msk $0xffff, v16  }
0xdd: {  	v12 =	vld [tilespmem:s30+$0x0];
	v28 =	vor.u32 v29, v11;
	v2 =	vand.u32 $0x400, v2;
	v16 =	vadd.s32 v0, v25;
	[tilespmem:v22+s18+$0x0] =	vst.idx.msk $0xffff, v9  }
0xde: {  	v29 =	vor.u32 v30, v2;
	v2 =	vand.u32 $0x400, v17;
	[tilespmem:v31+s18+$0x0] =	vst.idx.msk $0xffff, v5;
	v5 =	vld [tilespmem:s30+$0x40];
	v9 =	vadd.s32 v0, v56  }
0xdf: {  	v15 =	vadd.s32 v0, v14;
	v31 =	vor.u32 v32, v2;
	[tilespmem:v23+s18+$0x0] =	vst.idx.msk $0xffff, v6;
	v6 =	vld [tilespmem:s30+$0x60]  }
0xe0: {  	s21 =	simm.s32 $0x20;
	v13 =	vld [tilespmem:s30+$0xC0];
	[tilespmem:v41+s18+$0x0] =	vst.idx.msk $0xffff, v63;
	v22 =	vadd.s32 v0, v31  }
0xe1: {  	s2 =	simm.s32 $0x11;
	s1 =	sor.u32 $0x30, s21;
	v11 =	vadd.s32 v0, v28;
	[tilespmem:v24+s18+$0x0] =	vst.idx.msk $0xffff, v7;
	v7 =	vld [tilespmem:s30+$0x80]  }
0xe2: {  	s8 =	simm.s32 $0xC0;
	s10 =	simm.s32 $0x12;
	v57 =	vmov s2;
	v62 =	vadd.s32 v1, v25;
	v27 =	vadd.s32 v1, v18;
	v24 =	vld [tilespmem:s1+$0x2000];
	[tilespmem:v16+s18+$0x0] =	vst.idx.msk $0xffff, v12  }
0xe3: {  	s22 =	simm.s32 $0x40;
	s13 =	simm.s32 $0x13;
	v58 =	vmov s10;
	s2 =	sor.u32 $0x50, s8;
	v43 =	vadd.s32 v1, v56;
	v17 =	vadd.s32 v0, v29;
	v12 =	vld [tilespmem:s30+$0xA0];
	[tilespmem:v9+s18+$0x0] =	vst.idx.msk $0xffff, v5  }
0xe4: {  	s23 =	sor.u32 $0x50, s22;
	v59 =	vmov s13;
	v45 =	vadd.s32 v1, v14;
	v8 =	vadd.s32 v1, v8;
	v61 =	vld [tilespmem:s2+$0x2000];
	[tilespmem:v15+s18+$0x0] =	vst.idx.msk $0xffff, v6  }
0xe5: {  	s22 =	simm.s32 $0x17;
	v26 =	vand.u32 $0x72, v58;
	v47 =	vadd.s32 v1, v28;
	v5 =	vld [tilespmem:s23+$0x2000];
	v9 =	vadd.s32 v1, v19;
	[tilespmem:v22+s18+$0x0] =	vst.idx.msk $0xffff, v13  }
0xe6: {  	s7 =	simm.s32 $0xA0;
	s10 =	simm.s32 $0x1B;
	v18 =	vmov s22;
	v30 =	vadd.s32 v1, v21;
	v6 =	vld [tilespmem:s9+$0x2000];
	v15 =	vadd.s32 v1, v20;
	[tilespmem:v11+s18+$0x0] =	vst.idx.msk $0xffff, v7  }
0xe7: {  	s20 =	simm.s32 $0x10;
	s21 =	sor.u32 $0x30, s7;
	v21 =	vmov s10;
	v33 =	vshll.u32 v58, $0x3;
	s19 =	simm.s32 $0x15;
	v3 =	vadd.s32 v1, v3;
	v7 =	vld [tilespmem:s30+$0xFFFFFF90];
	[tilespmem:v27+s18+$0x0] =	vst.idx.msk $0xffff, v24  }
0xe8: {  	s15 =	simm.s32 $0xE0;
	s8 =	simm.s32 $0x19;
	v40 =	vmov s19;
	v37 =	vshll.u32 v57, $0x3;
	v16 =	vmov s20;
	[tilespmem:v17+s18+$0x0] =	vst.idx.msk $0xffff, v12;
	v12 =	vld [tilespmem:s21+$0x2000]  }
0xe9: {  	s0 =	sor.u32 $0x70, s15;
	v28 =	vshll.u32 v40, $0x3;
	v25 =	vand.u32 $0x71, v57;
	s20 =	simm.s32 $0x16;
	v2 =	vand.u32 $0x70, v16;
	[tilespmem:v8+s18+$0x0] =	vst.idx.msk $0xffff, v61;
	s21 =	simm.s32 $0x160;
	v46 =	vld [tilespmem:s30+$0x90]  }
0xea: {  	s13 =	simm.s32 $0x1C;
	s15 =	simm.s32 $0x1D;
	v23 =	vshll.u32 v16, $0x3;
	v16 =	vmov s20;
	s1 =	sor.u32 $0x70, s21;
	[tilespmem:v9+s18+$0x0] =	vst.idx.msk $0xffff, v5;
	v5 =	vld [tilespmem:s0+$0x2000];
	v9 =	vadd.s32 v1, v10  }
0xeb: {  	s22 =	simm.s32 $0x1A0;
	v32 =	vshll.u32 v59, $0x3;
	s20 =	simm.s32 $0x140;
	s9 =	simm.s32 $0x1A;
	v20 =	vmov s8;
	v22 =	vmov s13;
	v44 =	vld [tilespmem:s1+$0x2000];
	[tilespmem:v15+s18+$0x0] =	vst.idx.msk $0xffff, v6  }
0xec: {  	s19 =	simm.s32 $0x1E;
	v31 =	vadd.s32 v1, v31;
	s23 =	simm.s32 $0x18;
	v13 =	vmov s15;
	v19 =	vmov s9;
	s0 =	sor.u32 $0x50, s20;
	v6 =	vld [tilespmem:s30+$0x10];
	[tilespmem:v30+s18+$0x0] =	vst.idx.msk $0xffff, v7  }
0xed: {  	v14 =	vand.u32 $0x76, v16;
	v11 =	vmov s19;
	v17 =	vmov s23;
	s23 =	simm.s32 $0x1C0;
	v42 =	vld [tilespmem:s0+$0x2000];
	s0 =	sor.u32 $0x30, s22;
	[tilespmem:v3+s18+$0x0] =	vst.idx.msk $0xffff, v12  }
0xee: {  	v27 =	vand.u32 $0x400, v23;
	v24 =	vand.u32 $0x73, v59;
	s1 =	sor.u32 $0x50, s23;
	v30 =	vadd.s32 v1, v29;
	v34 =	vld [tilespmem:s0+$0x2000];
	[tilespmem:v47+s18+$0x0] =	vst.idx.msk $0xffff, v46  }
0xef: {  	v23 =	vand.u32 $0x74, v60;
	v8 =	vand.u32 $0x7A, v19;
	v10 =	vand.u32 $0x78, v17;
	v35 =	vld [tilespmem:s1+$0x2000];
	[tilespmem:v9+s18+$0x0] =	vst.idx.msk $0xffff, v5  }
0xf0: {  	v36 =	vld [tilespmem:s30+$0xFFFFFF10];
	v15 =	vand.u32 $0x75, v40;
	v7 =	vand.u32 $0x79, v20;
	v9 =	vadd.s32 v1, v4;
	[tilespmem:v45+s18+$0x0] =	vst.idx.msk $0xffff, v44  }
0xf1: {  	v29 =	vshll.u32 v60, $0x3;
	v12 =	vand.u32 $0x77, v18;
	v3 =	vand.u32 $0x7D, v13;
	[tilespmem:v62+s18+$0x0] =	vst.idx.msk $0xffff, v6  }
0xf2: {  	s31 =	simm.s32 $0x20;
	s0 =	simm.s32 $0x1F;
	v5 =	vand.u32 $0x7C, v22;
	v4 =	vand.u32 $0x7E, v11;
	v6 =	vand.u32 $0x7B, v21;
	[tilespmem:v43+s18+$0x0] =	vst.idx.msk $0xffff, v42  }
.LBB2_9:
0xf3: {  	p0 =	slt.u32 s31, $0xF0;
	v16 =	vshll.u32 v16, $0x3;
	v18 =	vshll.u32 v18, $0x3;
	v38 =	vmov s0;
	[tilespmem:v30+s18+$0x0] =	vst.idx.msk $0xffff, v34  }
0xf4: {  	v17 =	vshll.u32 v17, $0x3;
	v20 =	vshll.u32 v20, $0x3;
	v30 =	vshll.u32 v38, $0x3;
	[tilespmem:v31+s18+$0x0] =	vst.idx.msk $0xffff, v35  }
0xf5: {  	v19 =	vshll.u32 v19, $0x3;
	v31 =	vand.u32 $0x7F, v38;
	v30 =	vand.u32 $0x400, v30;
	[tilespmem:v9+s18+$0x0] =	vst.idx.msk $0xffff, v36  }
0xf6: {  	v21 =	vshll.u32 v21, $0x3;
	v22 =	vshll.u32 v22, $0x3;
	s30 =	sadd.s32 $0x200, s30;
	v30 =	vor.u32 v31, v30  }
0xf7: {  	v9 =	vor.u32 v2, v27;
	v2 =	vand.u32 $0x400, v37;
	v27 =	vld [tilespmem:s30+$0xE0];
	v31 =	vadd.s32 v0, v30  }
0xf8: {  	v35 =	vadd.s32 v0, v9;
	v25 =	vor.u32 v25, v2;
	v2 =	vand.u32 $0x400, v33;
	v34 =	vld [tilespmem:s30+$0xFFFFFF00]  }
0xf9: {  	v36 =	vadd.s32 v0, v25;
	v26 =	vor.u32 v26, v2;
	v2 =	vand.u32 $0x400, v32;
	v33 =	vld [tilespmem:s30+$0xFFFFFF20]  }
0xfa: {  	v37 =	vadd.s32 v0, v26;
	v24 =	vor.u32 v24, v2;
	v2 =	vand.u32 $0x400, v29;
	v32 =	vld [tilespmem:s30+$0xFFFFFF40]  }
0xfb: {  	s29 =	sadd.s32 $0x200, s29;
	v38 =	vadd.s32 v0, v24;
	v23 =	vor.u32 v23, v2;
	v2 =	vshll.u32 v13, $0x3;
	v29 =	vld [tilespmem:s30+$0xFFFFFF60]  }
0xfc: {  	v28 =	vand.u32 $0x400, v28;
	v11 =	vshll.u32 v11, $0x3;
	s0 =	sadd.s32 $0xFFFFFE40, s29;
	s1 =	sadd.s32 $0xFFFFFE60, s29;
	s5 =	sor.u32 $0x70, s29;
	v39 =	vadd.s32 v0, v23;
	v13 =	vld [tilespmem:s30+$0xFFFFFF80];
	[tilespmem:v31+s18+$0x0] =	vst.idx.msk $0xffff, v27  }
0xfd: {  	s6 =	sadd.s32 $0xFFFFFE80, s29;
	s7 =	sadd.s32 $0xFFFFFEC0, s29;
	v15 =	vor.u32 v15, v28;
	s14 =	sadd.s32 $0xFFFFFEE0, s29;
	v16 =	vand.u32 $0x400, v16;
	v28 =	vadd.s32 v1, v30;
	[tilespmem:v35+s18+$0x0] =	vst.idx.msk $0xffff, v34;
	v27 =	vld [tilespmem:s5+$0x2000]  }
0xfe: {  	s15 =	sadd.s32 $0xFFFFFF40, s29;
	s19 =	sadd.s32 $0xFFFFFF60, s29;
	v14 =	vor.u32 v14, v16;
	v16 =	vand.u32 $0x400, v18;
	v31 =	vadd.s32 v0, v15;
	s5 =	sadd.s32 $0xFFFFFF00, s29;
	[tilespmem:v36+s18+$0x0] =	vst.idx.msk $0xffff, v33;
	v30 =	vld [tilespmem:s30+$0xFFFFFFA0]  }
0xff: {  	s20 =	sadd.s32 $0xFFFFFF80, s29;
	s21 =	sadd.s32 $0xFFFFFFC0, s29;
	s9 =	sadd.s32 $0xFFFFFFE0, s29;
	v12 =	vor.u32 v12, v16;
	v16 =	vand.u32 $0x400, v17;
	[tilespmem:v37+s18+$0x0] =	vst.idx.msk $0xffff, v32;
	v18 =	vld [tilespmem:s30+$0xFFFFFFC0];
	v32 =	vadd.s32 v0, v14  }
0x100: {  	s2 =	sor.u32 $0x30, s0;
	s13 =	sor.u32 $0x50, s1;
	s10 =	sor.u32 $0x70, s6;
	v10 =	vor.u32 v10, v16;
	v16 =	vand.u32 $0x400, v20;
	[tilespmem:v38+s18+$0x0] =	vst.idx.msk $0xffff, v29;
	v17 =	vld [tilespmem:s30+$0xFFFFFFE0];
	v29 =	vadd.s32 v0, v12  }
0x101: {  	s8 =	sor.u32 $0x30, s7;
	s23 =	sor.u32 $0x50, s14;
	v20 =	vadd.s32 v0, v10;
	v7 =	vor.u32 v7, v16;
	v16 =	vand.u32 $0x400, v19;
	s22 =	sor.u32 $0x70, s5;
	[tilespmem:v39+s18+$0x0] =	vst.idx.msk $0xffff, v13;
	v13 =	vld [tilespmem:s30+$0x0]  }
0x102: {  	s7 =	sor.u32 $0x30, s15;
	s6 =	sor.u32 $0x50, s19;
	v8 =	vor.u32 v8, v16;
	v16 =	vand.u32 $0x400, v21;
	v33 =	vadd.s32 v0, v7;
	s5 =	sor.u32 $0x70, s20;
	v19 =	vld [tilespmem:s30+$0x20];
	[tilespmem:v28+s18+$0x0] =	vst.idx.msk $0xffff, v27  }
0x103: {  	s0 =	sor.u32 $0x30, s21;
	s1 =	sor.u32 $0x50, s9;
	v6 =	vor.u32 v6, v16;
	v16 =	vand.u32 $0x400, v22;
	v27 =	vadd.s32 v0, v8;
	[tilespmem:v31+s18+$0x0] =	vst.idx.msk $0xffff, v30;
	v21 =	vld [tilespmem:s30+$0x40]  }
0x104: {  	v2 =	vand.u32 $0x400, v2;
	v22 =	vadd.s32 v0, v6;
	v5 =	vor.u32 v5, v16;
	[tilespmem:v32+s18+$0x0] =	vst.idx.msk $0xffff, v18;
	v18 =	vld [tilespmem:s30+$0x60]  }
0x105: {  	v3 =	vor.u32 v3, v2;
	v2 =	vand.u32 $0x400, v11;
	[tilespmem:v29+s18+$0x0] =	vst.idx.msk $0xffff, v17;
	v16 =	vld [tilespmem:s30+$0x80];
	v17 =	vadd.s32 v0, v5  }
0x106: {  	v4 =	vor.u32 v4, v2;
	[tilespmem:v20+s18+$0x0] =	vst.idx.msk $0xffff, v13;
	v11 =	vld [tilespmem:s30+$0xA0];
	v13 =	vadd.s32 v0, v3  }
0x107: {  	v28 =	vadd.s32 v0, v4;
	v20 =	vmov s31;
	[tilespmem:v33+s18+$0x0] =	vst.idx.msk $0xffff, v19;
	v19 =	vld [tilespmem:s30+$0xC0]  }
0x108: {  	s9 =	sadd.s32 $0x1, s31;
	s14 =	sadd.s32 $0x2, s31;
	v25 =	vadd.s32 v1, v25;
	v2 =	vand.u32 $0x70, v20;
	v29 =	vshll.u32 v20, $0x3;
	v30 =	vld [tilespmem:s2+$0x2000];
	[tilespmem:v27+s18+$0x0] =	vst.idx.msk $0xffff, v21  }
0x109: {  	v26 =	vadd.s32 v1, v26;
	v32 =	vmov s9;
	s9 =	sadd.s32 $0x4, s31;
	v33 =	vmov s14;
	s2 =	sadd.s32 $0x3, s31;
	v27 =	vld [tilespmem:s13+$0x2000];
	[tilespmem:v22+s18+$0x0] =	vst.idx.msk $0xffff, v18  }
0x10a: {  	v24 =	vadd.s32 v1, v24;
	v39 =	vmov s9;
	s9 =	sadd.s32 $0x6, s31;
	v38 =	vmov s2;
	s2 =	sadd.s32 $0x5, s31;
	v31 =	vld [tilespmem:s10+$0x2000];
	[tilespmem:v17+s18+$0x0] =	vst.idx.msk $0xffff, v16  }
0x10b: {  	v23 =	vadd.s32 v1, v23;
	v40 =	vmov s2;
	v16 =	vmov s9;
	s2 =	sadd.s32 $0x7, s31;
	s9 =	sadd.s32 $0x8, s31;
	v34 =	vld [tilespmem:s30+$0xFFFFFF90];
	[tilespmem:v13+s18+$0x0] =	vst.idx.msk $0xffff, v11  }
0x10c: {  	v15 =	vadd.s32 v1, v15;
	v18 =	vmov s2;
	v17 =	vmov s9;
	s2 =	sadd.s32 $0x9, s31;
	s9 =	sadd.s32 $0xA, s31;
	v35 =	vld [tilespmem:s8+$0x2000];
	[tilespmem:v28+s18+$0x0] =	vst.idx.msk $0xffff, v19  }
0x10d: {  	v14 =	vadd.s32 v1, v14;
	v20 =	vmov s2;
	v19 =	vmov s9;
	s2 =	sadd.s32 $0xB, s31;
	s8 =	sadd.s32 $0xC, s31;
	[tilespmem:v25+s18+$0x0] =	vst.idx.msk $0xffff, v30;
	v28 =	vld [tilespmem:s23+$0x2000]  }
0x10e: {  	v36 =	vadd.s32 v1, v12;
	v21 =	vmov s2;
	v22 =	vmov s8;
	s2 =	sadd.s32 $0xD, s31;
	s8 =	sadd.s32 $0xE, s31;
	[tilespmem:v26+s18+$0x0] =	vst.idx.msk $0xffff, v27;
	v30 =	vld [tilespmem:s22+$0x2000]  }
0x10f: {  	v37 =	vadd.s32 v1, v10;
	v13 =	vmov s2;
	v11 =	vmov s8;
	[tilespmem:v24+s18+$0x0] =	vst.idx.msk $0xffff, v31;
	v31 =	vld [tilespmem:s30+$0x10]  }
0x110: {  	v41 =	vadd.s32 v1, v7;
	v25 =	vand.u32 $0x71, v32;
	v27 =	vand.u32 $0x400, v29;
	[tilespmem:v23+s18+$0x0] =	vst.idx.msk $0xffff, v34;
	v29 =	vld [tilespmem:s7+$0x2000]  }
0x111: {  	v43 =	vadd.s32 v1, v8;
	v26 =	vand.u32 $0x72, v33;
	v24 =	vand.u32 $0x73, v38;
	[tilespmem:v15+s18+$0x0] =	vst.idx.msk $0xffff, v35;
	v42 =	vld [tilespmem:s6+$0x2000]  }
0x112: {  	v44 =	vadd.s32 v1, v6;
	v23 =	vand.u32 $0x74, v39;
	v15 =	vand.u32 $0x75, v40;
	[tilespmem:v14+s18+$0x0] =	vst.idx.msk $0xffff, v28;
	v28 =	vld [tilespmem:s5+$0x2000]  }
0x113: {  	v46 =	vadd.s32 v1, v5;
	v12 =	vand.u32 $0x77, v18;
	v14 =	vand.u32 $0x76, v16;
	[tilespmem:v36+s18+$0x0] =	vst.idx.msk $0xffff, v30;
	v45 =	vld [tilespmem:s30+$0x90]  }
.Ltmp6:
0x114: {  	v10 =	vand.u32 $0x78, v17;
	v7 =	vand.u32 $0x79, v20;
	v30 =	vadd.s32 v1, v3;
	[tilespmem:v37+s18+$0x0] =	vst.idx.msk $0xffff, v31;
	v34 =	vld [tilespmem:s0+$0x2000];
	(pc) =	sbr.rel @p0 .LBB2_9-.Ltmp6, $4  }
0x115: {  	v8 =	vand.u32 $0x7A, v19;
	v6 =	vand.u32 $0x7B, v21;
	v31 =	vadd.s32 v1, v4;
	[tilespmem:v41+s18+$0x0] =	vst.idx.msk $0xffff, v29;
	v35 =	vld [tilespmem:s1+$0x2000]  }
0x116: {  	v9 =	vadd.s32 v1, v9;
	v5 =	vand.u32 $0x7C, v22;
	v3 =	vand.u32 $0x7D, v13;
	v36 =	vld [tilespmem:s30+$0xFFFFFF10];
	[tilespmem:v43+s18+$0x0] =	vst.idx.msk $0xffff, v42  }
0x117: {  	v33 =	vshll.u32 v33, $0x3;
	v37 =	vshll.u32 v32, $0x3;
	v4 =	vand.u32 $0x7E, v11;
	[tilespmem:v44+s18+$0x0] =	vst.idx.msk $0xffff, v28  }
0x118: {  	v32 =	vshll.u32 v38, $0x3;
	s0 =	sadd.s32 $0xF, s31;
	s31 =	sadd.s32 $0x10, s31;
	v29 =	vshll.u32 v39, $0x3;
	v28 =	vshll.u32 v40, $0x3;
	[tilespmem:v46+s18+$0x0] =	vst.idx.msk $0xffff, v45  }
0x119: {  	v16 =	vshll.u32 v16, $0x3  }
0x11a: {  	v18 =	vshll.u32 v18, $0x3;
	v38 =	vmov s0;
	v17 =	vshll.u32 v17, $0x3  }
0x11b: {  	v19 =	vshll.u32 v19, $0x3;
	v21 =	vshll.u32 v21, $0x3;
	v2 =	vor.u32 v2, v27  }
0x11c: {  	v61 =	vand.u32 $0x400, v37;
	v33 =	vand.u32 $0x400, v33;
	v32 =	vand.u32 $0x400, v32  }
0x11d: {  	s30 =	sadd.s32 $0x200, s30;
	v29 =	vand.u32 $0x400, v29;
	v13 =	vshll.u32 v13, $0x3;
	v28 =	vand.u32 $0x400, v28  }
0x11e: {  	v39 =	vshll.u32 v38, $0x3;
	v40 =	vld [tilespmem:s30+$0xFFFFFF00];
	v25 =	vor.u32 v25, v61;
	v63 =	vadd.s32 v0, v2  }
0x11f: {  	[tilespmem:v30+s18+$0x0] =	vst.idx.msk $0xffff, v34;
	v38 =	vand.u32 $0x7F, v38;
	v41 =	vld [tilespmem:s30+$0xFFFFFF20];
	v26 =	vor.u32 v26, v33;
	v42 =	vadd.s32 v0, v25  }
0x120: {  	v43 =	vld [tilespmem:s30+$0xFFFFFF40];
	v24 =	vor.u32 v24, v32;
	v23 =	vor.u32 v23, v29;
	v44 =	vadd.s32 v0, v26  }
0x121: {  	[tilespmem:v31+s18+$0x0] =	vst.idx.msk $0xffff, v35;
	v45 =	vld [tilespmem:s30+$0xFFFFFF60];
	v15 =	vor.u32 v15, v28;
	v16 =	vand.u32 $0x400, v16;
	v32 =	vadd.s32 v0, v24  }
0x122: {  	v46 =	vld [tilespmem:s30+$0xFFFFFF80];
	v52 =	vand.u32 $0x400, v18;
	[tilespmem:v9+s18+$0x0] =	vst.idx.msk $0xffff, v36;
	v47 =	vadd.s32 v0, v23;
	v51 =	vadd.s32 v0, v15  }
0x123: {  	v50 =	vld [tilespmem:s30+$0xFFFFFFA0];
	v55 =	vand.u32 $0x400, v17;
	v14 =	vor.u32 v14, v16;
	v12 =	vor.u32 v12, v52;
	[tilespmem:v63+s18+$0x0] =	vst.idx.msk $0xffff, v40  }
0x124: {  	v53 =	vld [tilespmem:s30+$0xFFFFFFC0];
	v61 =	vand.u32 $0x400, v19;
	v10 =	vor.u32 v10, v55;
	v54 =	vadd.s32 v0, v14;
	[tilespmem:v42+s18+$0x0] =	vst.idx.msk $0xffff, v41  }
0x125: {  	v56 =	vld [tilespmem:s30+$0xFFFFFFE0];
	v39 =	vand.u32 $0x400, v39;
	v8 =	vor.u32 v8, v61;
	v57 =	vadd.s32 v0, v12;
	[tilespmem:v44+s18+$0x0] =	vst.idx.msk $0xffff, v43  }
0x126: {  	v59 =	vld [tilespmem:s30+$0x0];
	v36 =	vand.u32 $0x400, v21;
	v38 =	vor.u32 v38, v39;
	v60 =	vadd.s32 v0, v10;
	[tilespmem:v32+s18+$0x0] =	vst.idx.msk $0xffff, v45  }
0x127: {  	v11 =	vshll.u32 v11, $0x3;
	v62 =	vld [tilespmem:s30+$0xE0];
	v6 =	vor.u32 v6, v36;
	v39 =	vadd.s32 v0, v38;
	[tilespmem:v47+s18+$0x0] =	vst.idx.msk $0xffff, v46  }
0x128: {  	v37 =	vld [tilespmem:s30+$0x40];
	v13 =	vand.u32 $0x400, v13;
	v49 =	vadd.s32 v1, v38;
	v38 =	vadd.s32 v0, v8;
	[tilespmem:v51+s18+$0x0] =	vst.idx.msk $0xffff, v50  }
0x129: {  	v11 =	vand.u32 $0x400, v11;
	v3 =	vor.u32 v3, v13;
	v40 =	vld [tilespmem:s30+$0x60];
	v41 =	vadd.s32 v0, v6;
	[tilespmem:v54+s18+$0x0] =	vst.idx.msk $0xffff, v53  }
0x12a: {  	v20 =	vshll.u32 v20, $0x3;
	v4 =	vor.u32 v4, v11;
	v43 =	vld [tilespmem:s30+$0xA0];
	v44 =	vadd.s32 v0, v3;
	[tilespmem:v57+s18+$0x0] =	vst.idx.msk $0xffff, v56  }
0x12b: {  	s31 =	sadd.s32 $0x200, s29;
	v58 =	vand.u32 $0x400, v20;
	v45 =	vld [tilespmem:s30+$0xC0];
	v46 =	vadd.s32 v0, v4;
	[tilespmem:v60+s18+$0x0] =	vst.idx.msk $0xffff, v59  }
0x12c: {  	s9 =	sadd.s32 $0xFFFFFF00, s31;
	v7 =	vor.u32 v7, v58;
	v52 =	vadd.s32 v1, v23;
	v51 =	vld [tilespmem:s30+$0xFFFFFF90];
	[tilespmem:v39+s18+$0x0] =	vst.idx.msk $0xffff, v62  }
0x12d: {  	s10 =	sor.u32 $0x70, s9;
	v63 =	vadd.s32 v0, v7;
	v62 =	vld [tilespmem:s30+$0x20];
	[tilespmem:v38+s18+$0x0] =	vst.idx.msk $0xffff, v37  }
0x12e: {  	v22 =	vshll.u32 v22, $0x3;
	v12 =	vadd.s32 v1, v12;
	v55 =	vld [tilespmem:s10+$0x2000];
	[tilespmem:v41+s18+$0x0] =	vst.idx.msk $0xffff, v40  }
0x12f: {  	s1 =	sor.u32 $0x70, s31;
	v10 =	vadd.s32 v1, v10;
	v39 =	vand.u32 $0x400, v22;
	v56 =	vld [tilespmem:s30+$0x10];
	[tilespmem:v44+s18+$0x0] =	vst.idx.msk $0xffff, v43  }
0x130: {  	s5 =	sadd.s32 $0xFFFFFE40, s31;
	v48 =	vld [tilespmem:s1+$0x2000];
	v5 =	vor.u32 v5, v39;
	[tilespmem:v46+s18+$0x0] =	vst.idx.msk $0xffff, v45  }
0x131: {  	s8 =	sadd.s32 $0xFFFFFEE0, s31;
	v42 =	vld [tilespmem:s30+$0x80];
	s1 =	sor.u32 $0x30, s5;
	v16 =	vadd.s32 v0, v5;
	[tilespmem:v52+s18+$0x0] =	vst.idx.msk $0xffff, v51  }
0x132: {  	s15 =	sadd.s32 $0xFFFFFF80, s31;
	v25 =	vadd.s32 v1, v25;
	v47 =	vld [tilespmem:s1+$0x2000];
	s1 =	sor.u32 $0x50, s8;
	[tilespmem:v63+s18+$0x0] =	vst.idx.msk $0xffff, v62  }
0x133: {  	s20 =	sadd.s32 $0xFFFFFFC0, s31;
	s19 =	sor.u32 $0x70, s15;
	v14 =	vadd.s32 v1, v14;
	v54 =	vld [tilespmem:s1+$0x2000];
	[tilespmem:v12+s18+$0x0] =	vst.idx.msk $0xffff, v55  }
0x134: {  	s0 =	sadd.s32 $0xFFFFFFE0, s31;
	s21 =	sor.u32 $0x30, s20;
	v6 =	vadd.s32 v1, v6;
	v59 =	vld [tilespmem:s19+$0x2000];
	[tilespmem:v10+s18+$0x0] =	vst.idx.msk $0xffff, v56  }
0x135: {  	s0 =	sor.u32 $0x50, s0;
	v3 =	vadd.s32 v1, v3;
	v61 =	vld [tilespmem:s21+$0x2000];
	[tilespmem:v49+s18+$0x0] =	vst.idx.msk $0xffff, v48  }
0x136: {  	s2 =	sadd.s32 $0xFFFFFE60, s31;
	v4 =	vadd.s32 v1, v4;
	v62 =	vld [tilespmem:s0+$0x2000];
	[tilespmem:v16+s18+$0x0] =	vst.idx.msk $0xffff, v42  }
0x137: {  	v2 =	vadd.s32 v1, v2;
	s2 =	sor.u32 $0x50, s2;
	s5 =	sadd.s32 $0xFFFFFE80, s31;
	v63 =	vld [tilespmem:s30+$0xFFFFFF10];
	[tilespmem:v25+s18+$0x0] =	vst.idx.msk $0xffff, v47  }
0x138: {  	s13 =	sadd.s32 $0xFFFFFF40, s31;
	v26 =	vadd.s32 v1, v26;
	s6 =	sor.u32 $0x70, s5;
	v48 =	vld [tilespmem:s2+$0x2000];
	[tilespmem:v14+s18+$0x0] =	vst.idx.msk $0xffff, v54  }
0x139: {  	s7 =	sadd.s32 $0xFFFFFEC0, s31;
	v50 =	vadd.s32 v1, v24;
	s1 =	sor.u32 $0x30, s13;
	v49 =	vld [tilespmem:s6+$0x2000];
	[tilespmem:v6+s18+$0x0] =	vst.idx.msk $0xffff, v59  }
0x13a: {  	s14 =	sadd.s32 $0xFFFFFF60, s31;
	v7 =	vadd.s32 v1, v7;
	s2 =	sor.u32 $0x30, s7;
	v57 =	vld [tilespmem:s1+$0x2000];
	[tilespmem:v3+s18+$0x0] =	vst.idx.msk $0xffff, v61  }
0x13b: {  	v15 =	vadd.s32 v1, v15;
	v53 =	vld [tilespmem:s2+$0x2000];
	s2 =	sor.u32 $0x50, s14;
	[tilespmem:v4+s18+$0x0] =	vst.idx.msk $0xffff, v62  }
0x13c: {  	v8 =	vadd.s32 v1, v8;
	v58 =	vld [tilespmem:s2+$0x2000];
	[tilespmem:v2+s18+$0x0] =	vst.idx.msk $0xffff, v63  }
0x13d: {  	v5 =	vadd.s32 v1, v5;
	v60 =	vld [tilespmem:s30+$0x90];
	[tilespmem:v26+s18+$0x0] =	vst.idx.msk $0xffff, v48  }
0x13e: {  	[tilespmem:v50+s18+$0x0] =	vst.idx.msk $0xffff, v49  }
0x13f: {  	[tilespmem:v7+s18+$0x0] =	vst.idx.msk $0xffff, v57  }
0x140: {  	s22 =	sadd.s32 s4, s28;
	[tilespmem:v15+s18+$0x0] =	vst.idx.msk $0xffff, v53  }
0x141: {  	s0 =	sadd.s32 s26, s22;
	[tilespmem:v8+s18+$0x0] =	vst.idx.msk $0xffff, v58  }
0x142: {  	s23 =	sadd.s32 $0x100, s0;
	[tilespmem:v5+s18+$0x0] =	vst.idx.msk $0xffff, v60  }
0x143: {  	[hbm4b:s23+s3] =	stream.linear.scatter [tilespmem:s18], [sflag:$0x4], $0x800, $0x38;
	[tilespmem:$0xA000] =	vst v63  }
0x144: {  	s28 =	simm.s32 $0x7C00;
	p0 =	seq.s32 s24, $0x31;
	s26 =	sadd.s32 $0x4100, s0  }
0x145: {  	[hbm4b:s26+s3] =	stream.linear.scatter [tilespmem:s28], [sflag:$0x4], $0x800, $0x38;
	[tilespmem:$0xA000] =	vst v63  }
.Ltmp7:
0x146: {  	_ = 	snop;
	(pc) =	sbr.rel @p0 .LBB2_12-.Ltmp7, $4  }
0x147: {  	s29 =	sadd.s32 $0x8100, s0;
	s30 =	simm.s32 $0x8800  }
0x148: {  	[hbm4b:s29+s3] =	stream.linear.scatter [tilespmem:s30], [sflag:$0x4], $0x800, $0x38;
	[tilespmem:$0xA000] =	vst v63  }
0x149: {  	s31 =	simm.s32 $0x9400;
	s0 =	sadd.s32 $0xC100, s0;
	s2 =	smov.u32 s4  }
0x14a: {  	[hbm4b:s0+s3] =	stream.linear.scatter [tilespmem:s31], [sflag:$0x4], $0x800, $0x38;
	[tilespmem:$0xA000] =	vst v63  }
.Ltmp8:
0x14b: {  	(pc) =	sbr.rel .LBB2_2-.Ltmp8, $4  }
0x14c: {  	_ = 	snop  }
0x14d: {  	s0 =	rddreg [dreg:$0x8]  }
0x14e: {  	s1 =	simm.s32 $0x2000;
	s24 =	sadd.s32 $0x1, s24;
	s0 =	sadd.s32 s0, s25  }
0x14f: {  	[tilespmem:s1], [sflag:$0x2] =	stream.linear.gather [hbm4b:s0+s3], $0x2000, $0x38;
	[tilespmem:$0xA000] =	vst v63  }
.LBB2_13:
0x150: {  	_ =	sfence.sel $0x180000  }
0x151: {  	[bflag:$0x0] =	sbarrier.arrive $0xFFFF  }
0x152: {  	_ =	strace $0x9000004A  }
0x153: {  	s0 =	stileid.u32;
	[bflag:$0x2] =	sbarrier.arrive $0xFFFF  }
0x154: {  	p0 =	sne.s32 s0, $0x0;
	s0 =	rddreg [dreg:$0x2]  }
0x155: {  	s0 =	sadd.s32 @!p0 $0x100000, s0  }
0x156: {  	[sflag:s0] =	ssyncadd.tile.s32 @!p0 $0x1;
	_ =	shalt  }
.Lfunc_end2:
_tile_overlayer_lowered:
.L_overlay_start_2:
0x157: {  	(tag) =	ssettag $0x2  }
0x158: {  	s0 =	rddreg [dreg:$0x0];
	s2 =	stileid.u32  }
0x159: {  	s1 =	rddreg [dreg:$0x1];
	p0 =	sne.s32 s2, $0x0  }
0x15a: {  	s3 =	rddreg [dreg:$0x2];
	[bflag:$0x3] =	sbarrier.arrive $0xFFFF;
	s2 =	simm.s32 @!p0 $0x1C05  }
0x15b: {  	[timem:s3], [sflag:s2] =	dma.local @!p0 [hbm:s0], s1  }
0x15c: {  	s0 =	simm.s32 @!p0 $0x5  }
0x15d: {  	_ =	swait.ge @!p0 [sflag:s0], s1  }
0x15e: {  	s1 =	ssub.s32 @!p0 $0x0, s1;
	[sflag:s0] =	ssyncset.done @!p0 $0x0  }
0x15f: {  	[sflag:s0] =	ssyncadd.s32 @!p0 s1  }
0x160: {  	[bflag:$0x3] =	sbarrier.arrive $0xFFFF  }
0x161: {  	_ =	shalt  }

</sc_bundles>
